<compile_context>
chip_gen: v7x
topology: tpu7x:2x2x1
jax: 0.10.2.dev20260603
libtpu: 0.0.44.dev20260713+nightly
codegen_flags: <defaults>
</compile_context>

<pallas_src>
import functools

import jax
import jax.numpy as jnp
from jax import lax
from jax.experimental import pallas as pl
from jax.experimental.pallas import tpu as pltpu
from jax.experimental.pallas import tpu_sc as plsc

N, C, H, W = 4, 80, 160, 160
HW = H * W
HB = 10
Hb = H // HB
BLK = Hb * W
K = 100
THR = 0.2
NMS_THR = 0.6
PAD = 128
D = 128
NROW = N * PAD
BIG = 1 << 30

_DOT = dict(precision=lax.Precision.HIGHEST, preferred_element_type=jnp.float32)


def _sigmoid(x):
    return 1.0 / (1.0 + jnp.exp(-x))


def _k1_body(cls_ref, ctr_ref, reg_ref, loc_ref, locmax_ref, tab_ref):
    cls = cls_ref[0].reshape(C, BLK)
    ctr = ctr_ref[0, 0].reshape(1, BLK)
    rawmax = jnp.max(cls, axis=0, keepdims=True)
    sm = _sigmoid(rawmax)
    sc = _sigmoid(ctr)
    locmax_ref[0, 0, :] = jnp.where(sm > THR, sm * sc, -1.0)[0]
    big = jnp.concatenate(
        [cls, reg_ref[0].reshape(4, BLK), loc_ref[:].T, ctr,
         jnp.zeros((D - C - 7, BLK), jnp.float32)], axis=0)
    tab_ref[0] = big.T


def _k2_body(locmax_ref, selhw_ref, gidx_ref):
    x = locmax_ref[:]
    hw_iota = lax.broadcasted_iota(jnp.int32, (N, HW), 1)
    lane = lax.broadcasted_iota(jnp.int32, (N, PAD), 1)

    def body(i, carry):
        x, sel = carry
        m = jnp.max(x, axis=1, keepdims=True)
        win = jnp.min(jnp.where(x == m, hw_iota, BIG), axis=1, keepdims=True)
        sel = jnp.where(lane == i, win, sel)
        x = jnp.where(hw_iota == win, -2.0, x)
        return x, sel

    _, sel = lax.fori_loop(0, K, body, (x, jnp.full((N, PAD), -1, jnp.int32)))
    selhw_ref[:] = sel
    n_iota = lax.broadcasted_iota(jnp.int32, (N, PAD), 0)
    gidx_ref[:] = jnp.maximum(sel, 0) + n_iota * HW


def _make_sc_gather():
    info = plsc.get_sparse_core_info()
    nw = info.num_cores * info.num_subcores
    bpw = NROW // nw
    mesh = plsc.VectorSubcoreMesh(core_axis_name="c", subcore_axis_name="s")

    @functools.partial(
        pl.kernel, mesh=mesh,
        out_type=jax.ShapeDtypeStruct((NROW, D), jnp.float32),
        scratch_types=[
            pltpu.VMEM((bpw,), jnp.int32),
            pltpu.VMEM((bpw, D), jnp.float32),
            pltpu.SemaphoreType.DMA,
        ],
    )
    def gat(tab_hbm, idx_hbm, out_hbm, idx_v, rows_v, sem):
        wid = lax.axis_index("s") * info.num_cores + lax.axis_index("c")
        base = wid * bpw
        pltpu.sync_copy(idx_hbm.at[pl.ds(base, bpw)], idx_v)
        pltpu.async_copy(tab_hbm.at[idx_v], rows_v, sem).wait()
        pltpu.sync_copy(rows_v, out_hbm.at[pl.ds(base, bpw)])

    return gat


def _sc_gather(table, gidx):
    return _make_sc_gather()(table, gidx)


def _k4_body(rows_ref, selhw_ref, size_ref,
             boxes_ref, scores_ref, labels_ref, keep_ref, iou_s):
    rows = rows_ref[:]
    raw = rows[:, :, 0:C]
    sigc = _sigmoid(raw)
    sct = _sigmoid(rows[:, :, C + 6:C + 7])
    x = jnp.where(sigc > THR, sigc * sct, -1.0)
    selhw = selhw_ref[:]
    c_iota = lax.broadcasted_iota(jnp.int32, (N, PAD, C), 2)
    r_iota = lax.broadcasted_iota(jnp.int32, (N, PAD, C), 1)
    elem_idx = selhw[:, :, None] * C + c_iota
    lane = lax.broadcasted_iota(jnp.int32, (N, PAD), 1)

    x = jnp.where(selhw[:, :, None] < 0, -jnp.inf, x)

    def extract(i, carry):
        x, topv, topr, topc = carry
        m = jnp.max(jnp.max(x, axis=2), axis=1)
        mb = m[:, None, None]
        cand = x == mb
        wi = jnp.min(jnp.min(jnp.where(cand, elem_idx, BIG), axis=2), axis=1)
        wib = wi[:, None, None]
        hit = cand & (elem_idx == wib)
        wr = jnp.min(jnp.min(jnp.where(hit, r_iota, BIG), axis=2), axis=1)
        wc = wi % C
        eq = lane == i
        topv = jnp.where(eq, m[:, None], topv)
        topr = jnp.where(eq, wr[:, None], topr)
        topc = jnp.where(eq, wc[:, None], topc)
        x = jnp.where(elem_idx == wib, -jnp.inf, x)
        return x, topv, topr, topc

    init = (x, jnp.zeros((N, PAD), jnp.float32),
            jnp.zeros((N, PAD), jnp.int32), jnp.zeros((N, PAD), jnp.int32))
    _, topv, topr, topc = lax.fori_loop(0, K, extract, init)

    sds = []
    for n in range(N):
        ohn = (topr[n][:, None] ==
               lax.broadcasted_iota(jnp.int32, (PAD, PAD), 1)).astype(jnp.float32)
        data = rows[n, :, C:C + 6]
        sds.append(lax.dot_general(data, ohn, (((0,), (1,)), ((), ())), **_DOT))
    sd = jnp.stack(sds, axis=0)

    lx, ly = sd[:, 4, :], sd[:, 5, :]
    x1 = lx - sd[:, 0, :]
    y1 = ly - sd[:, 1, :]
    x2 = lx + sd[:, 2, :]
    y2 = ly + sd[:, 3, :]
    h_img = size_ref[0, 0].astype(jnp.float32)
    w_img = size_ref[0, 1].astype(jnp.float32)
    x1 = jnp.clip(x1, 0.0, w_img - 1.0)
    x2 = jnp.clip(x2, 0.0, w_img - 1.0)
    y1 = jnp.clip(y1, 0.0, h_img - 1.0)
    y2 = jnp.clip(y2, 0.0, h_img - 1.0)

    valid = (topv >= 0.0) & (lane < K)
    sqrt_scores = jnp.where(valid, jnp.sqrt(jnp.where(valid, topv, 1.0)), 0.0)
    labels = topc + 1

    area = jnp.maximum(x2 - x1, 0.0) * jnp.maximum(y2 - y1, 0.0)
    ltx = jnp.maximum(x1[:, :, None], x1[:, None, :])
    lty = jnp.maximum(y1[:, :, None], y1[:, None, :])
    rbx = jnp.minimum(x2[:, :, None], x2[:, None, :])
    rby = jnp.minimum(y2[:, :, None], y2[:, None, :])
    inter = jnp.maximum(rbx - ltx, 0.0) * jnp.maximum(rby - lty, 0.0)
    iou = inter / jnp.maximum(area[:, :, None] + area[:, None, :] - inter, 1e-9)
    iou_s[:] = iou

    keep0 = valid.astype(jnp.float32)

    def nms(i, keep):
        row = iou_s[:, pl.ds(i, 1), :].reshape(N, PAD)
        ki = jnp.max(jnp.where(lane == i, keep, 0.0), axis=1, keepdims=True)
        sup = (row > NMS_THR) & (ki > 0.5) & (lane > i)
        return jnp.where(sup, 0.0, keep)

    keep = lax.fori_loop(0, K, nms, keep0)
    keep_b = keep > 0.5

    boxes_ref[:, 0, :] = x1 * keep
    boxes_ref[:, 1, :] = y1 * keep
    boxes_ref[:, 2, :] = x2 * keep
    boxes_ref[:, 3, :] = y2 * keep
    scores_ref[:] = sqrt_scores * keep
    labels_ref[:] = jnp.where(keep_b, labels, 0)
    keep_ref[:] = keep_b.astype(jnp.int32)


@jax.jit
def kernel(locations, box_cls, box_regression, centerness, size):
    f32, i32 = jnp.float32, jnp.int32

    locmax, table = pl.pallas_call(
        _k1_body,
        grid=(N, HB),
        in_specs=[
            pl.BlockSpec((1, C, Hb, W), lambda n, j: (n, 0, j, 0)),
            pl.BlockSpec((1, 1, Hb, W), lambda n, j: (n, 0, j, 0)),
            pl.BlockSpec((1, 4, Hb, W), lambda n, j: (n, 0, j, 0)),
            pl.BlockSpec((BLK, 2), lambda n, j: (j, 0)),
        ],
        out_specs=[
            pl.BlockSpec((1, 1, BLK), lambda n, j: (n * HB + j, 0, 0)),
            pl.BlockSpec((1, BLK, D), lambda n, j: (n * HB + j, 0, 0)),
        ],
        out_shape=[
            jax.ShapeDtypeStruct((N * HB, 1, BLK), f32),
            jax.ShapeDtypeStruct((N * HB, BLK, D), f32),
        ],
    )(box_cls, centerness, box_regression, locations)

    selhw, gidx = pl.pallas_call(
        _k2_body,
        out_shape=[jax.ShapeDtypeStruct((N, PAD), i32),
                   jax.ShapeDtypeStruct((N, PAD), i32)],
    )(locmax.reshape(N, HW))

    rows = _sc_gather(table.reshape(N * HW, D), gidx.reshape(NROW))

    boxes_t, scores_p, labels_p, keep_p = pl.pallas_call(
        _k4_body,
        in_specs=[
            pl.BlockSpec((N, PAD, D), lambda: (0, 0, 0)),
            pl.BlockSpec((N, PAD), lambda: (0, 0)),
            pl.BlockSpec((1, 2), lambda: (0, 0)),
        ],
        out_specs=[
            pl.BlockSpec((N, 4, PAD), lambda: (0, 0, 0)),
            pl.BlockSpec((N, PAD), lambda: (0, 0)),
            pl.BlockSpec((N, PAD), lambda: (0, 0)),
            pl.BlockSpec((N, PAD), lambda: (0, 0)),
        ],
        out_shape=[
            jax.ShapeDtypeStruct((N, 4, PAD), f32),
            jax.ShapeDtypeStruct((N, PAD), f32),
            jax.ShapeDtypeStruct((N, PAD), i32),
            jax.ShapeDtypeStruct((N, PAD), i32),
        ],
        scratch_shapes=[pltpu.VMEM((N, PAD, PAD), f32)],
    )(rows.reshape(N, PAD, D), selhw, size.reshape(1, 2))

    boxes = jnp.moveaxis(boxes_t, 1, 2)[:, :K, :]
    return (boxes, scores_p[:, :K], labels_p[:, :K],
            keep_p[:, :K].astype(jnp.bool_))

# --- scband reference (transcript-rebuilt; emitter-appended) ---
"""Pipeline reference for scband-post-processor-58205396795712 (READ-ONLY COPY).

The authoritative reference and input builder live on the scoring server;
editing this copy changes nothing except your own understanding.
"""

import jax, jax.numpy as jnp
import numpy as np

PRE_NMS_THRESH = 0.2
PRE_NMS_TOP_N = 100
NMS_THRESH = 0.6


def setup_inputs(seed: int = 0) -> dict:
    key = jax.random.key(seed)
    k1, k2, k3, k4 = jax.random.split(key, 4)
    N, C, H, W = 4, 80, 160, 160
    locations = jax.random.uniform(k1, (H * W, 2), dtype=jnp.float32) * 1280.0
    box_cls = jax.random.normal(k2, (N, C, H, W), dtype=jnp.float32) * 2.0 - 2.0
    box_regression = jax.random.uniform(k3, (N, 4, H, W), dtype=jnp.float32) * 64.0
    centerness = jax.random.normal(k4, (N, 1, H, W), dtype=jnp.float32)
    size = jnp.array([1280, 1280], dtype=jnp.int32)
    return {"locations": locations, "box_cls": box_cls, "box_regression": box_regression, "centerness": centerness, "size": size}


def _decode_and_nms(locations, box_cls, box_regression, centerness, size):
    N, C, H, W = box_cls.shape
    cls = jax.nn.sigmoid(jnp.transpose(box_cls, (0, 2, 3, 1)).reshape(N, -1, C))
    reg = jnp.transpose(box_regression, (0, 2, 3, 1)).reshape(N, -1, 4)
    ctr = jax.nn.sigmoid(jnp.transpose(centerness, (0, 2, 3, 1)).reshape(N, -1))
    cand = cls > PRE_NMS_THRESH
    scores = cls * ctr[:, :, None]
    flat_scores = scores.reshape(N, -1)
    flat_cand = cand.reshape(N, -1)
    masked = jnp.where(flat_cand, flat_scores, -1.0)
    topv, topi = jax.lax.top_k(masked, PRE_NMS_TOP_N)
    valid = jnp.take_along_axis(flat_cand, topi, axis=1)
    loc_idx = topi // C
    labels = topi % C + 1
    per_loc = jnp.take(locations, loc_idx, axis=0)
    per_reg = jnp.take_along_axis(reg, loc_idx[:, :, None], axis=1)
    x1 = per_loc[..., 0] - per_reg[..., 0]
    y1 = per_loc[..., 1] - per_reg[..., 1]
    x2 = per_loc[..., 0] + per_reg[..., 2]
    y2 = per_loc[..., 1] + per_reg[..., 3]
    h_img = size[0].astype(jnp.float32)
    w_img = size[1].astype(jnp.float32)
    x1 = jnp.clip(x1, 0.0, w_img - 1.0)
    x2 = jnp.clip(x2, 0.0, w_img - 1.0)
    y1 = jnp.clip(y1, 0.0, h_img - 1.0)
    y2 = jnp.clip(y2, 0.0, h_img - 1.0)
    # scores = sqrt(per_box_cls); safe-sqrt so invalid sentinel (-1) does not produce nan
    sqrt_scores = jnp.where(valid, jnp.sqrt(jnp.where(valid, topv, 1.0)), 0.0)
    # remove_small_boxes with min_size=0 keeps everything after clipping (widths >= 0)
    nms_scores = jnp.where(valid, sqrt_scores, -1.0)
    order = jnp.argsort(-nms_scores, axis=1)
    boxes = jnp.stack([x1, y1, x2, y2], axis=-1)
    boxes_s = jnp.take_along_axis(boxes, order[:, :, None], axis=1)
    scores_s = jnp.take_along_axis(sqrt_scores, order, axis=1)
    labels_s = jnp.take_along_axis(labels, order, axis=1)
    valid_s = jnp.take_along_axis(valid, order, axis=1)
    # greedy class-agnostic NMS (boxlist_nms on CPU path), dense fixed-shape form
    area = jnp.maximum(boxes_s[..., 2] - boxes_s[..., 0], 0.0) * jnp.maximum(boxes_s[..., 3] - boxes_s[..., 1], 0.0)
    lt = jnp.maximum(boxes_s[:, :, None, :2], boxes_s[:, None, :, :2])
    rb = jnp.minimum(boxes_s[:, :, None, 2:], boxes_s[:, None, :, 2:])
    wh = jnp.maximum(rb - lt, 0.0)
    inter = wh[..., 0] * wh[..., 1]
    iou = inter / jnp.maximum(area[:, :, None] + area[:, None, :] - inter, 1e-9)
    keep = valid_s
    idxs = jnp.arange(PRE_NMS_TOP_N)
    for i in range(PRE_NMS_TOP_N):
        sup = (iou[:, i, :] > NMS_THRESH) & keep[:, i:i + 1] & (idxs[None, :] > i)
        keep = keep & (~sup)
    # fpn_post_nms_top_n = 100 >= detections, so no further kthvalue filtering needed
    return boxes_s, scores_s, labels_s, keep


def reference(locations, box_cls, box_regression, centerness, size):
    boxes, scores, labels, keep = _decode_and_nms(locations, box_cls, box_regression, centerness, size)
    keep_f = keep.astype(jnp.float32)
    return boxes * keep_f[..., None], scores * keep_f, labels * keep.astype(labels.dtype), keep

if __name__ == "__main__":
    import jax
    _d = setup_inputs()
    print(jax.jit(kernel)(*tuple(_d.values())))

</pallas_src>

<mosaic_0001>
#map = affine_map<(d0, d1) -> (0, 0)>
#map1 = affine_map<(d0, d1) -> (0)>
module attributes {stable_mosaic.version = 14 : i64} {
  func.func @gat(%arg0: i32, %arg1: i32, %arg2: memref<102400x128xf32, #tpu.memory_space<hbm>>, %arg3: memref<512xi32, #tpu.memory_space<hbm>>, %arg4: memref<512x128xf32, #tpu.memory_space<hbm>>, %arg5: memref<16xi32, #tpu.memory_space<vmem>>, %arg6: memref<16x128xf32, #tpu.memory_space<vmem>>, %arg7: memref<!tpu.dma_semaphore, #tpu.memory_space<semaphore_mem>>) attributes {dimension_semantics = [#tpu.dimension_semantics<core_parallel>, #tpu.dimension_semantics<subcore_parallel>], iteration_bounds = array<i64: 2, 16>, scalar_prefetch = 0 : i64, scratch_operands = 3 : i64, tpu.core_type = #tpu.core_type<sc_vector_subcore>, window_params = [{transform_indices = #map}, {transform_indices = #map1}, {transform_indices = #map}]} {
    %mul3A = arith.constant 2 : i32
    %mul3A_0 = arith.muli %arg1, %mul3A : i32
    %add3A = arith.addi %mul3A_0, %arg0 : i32
    %mul3A_1 = arith.constant 16 : i32
    %mul3A_2 = arith.muli %add3A, %mul3A_1 : i32
    "tpu.region"() ({
      %run_scoped3A = tpu.sem_alloc : memref<!tpu.dma_semaphore, #tpu.memory_space<semaphore_mem>>
      %dma_start3A_7 = tpu.memref_slice %arg3[%mul3A_2] : memref<512xi32, #tpu.memory_space<hbm>> -> memref<16xi32, #tpu.memory_space<hbm>>
      %dma_start3A_8 = tpu.memref_slice %arg3[%mul3A_2] : memref<512xi32, #tpu.memory_space<hbm>> -> memref<16xi32, #tpu.memory_space<hbm>>
      tpu.enqueue_dma source(%dma_start3A_8 : memref<16xi32, #tpu.memory_space<hbm>>) target(%arg5 : memref<16xi32, #tpu.memory_space<vmem>>) target_semaphore(%run_scoped3A : memref<!tpu.dma_semaphore, #tpu.memory_space<semaphore_mem>>)
      %dma_wait3A_9 = tpu.memref_slice %arg3[%mul3A_2] : memref<512xi32, #tpu.memory_space<hbm>> -> memref<16xi32, #tpu.memory_space<hbm>>
      %dma_wait3A_10 = tpu.memref_slice %arg3[%mul3A_2] : memref<512xi32, #tpu.memory_space<hbm>> -> memref<16xi32, #tpu.memory_space<hbm>>
      tpu.wait_dma2 semaphore(%run_scoped3A : memref<!tpu.dma_semaphore, #tpu.memory_space<semaphore_mem>>) src(%dma_wait3A_10 : memref<16xi32, #tpu.memory_space<hbm>>) dst(%arg5 : memref<16xi32, #tpu.memory_space<vmem>>)
      tpu.yield
    }) : () -> ()
    %dma_start3A = arith.constant 0 : i32
    %dma_start3A_3 = arith.constant 0 : i32
    %dma_start3A_4 = tpu.memref_slice %arg2[%dma_start3A, %dma_start3A_3] : memref<102400x128xf32, #tpu.memory_space<hbm>> -> memref<102400x128xf32, #tpu.memory_space<hbm>>
    tpu.enqueue_indirect_dma source(%dma_start3A_4 : memref<102400x128xf32, #tpu.memory_space<hbm>>) target(%arg6 : memref<16x128xf32, #tpu.memory_space<vmem>>) offsets(%arg5 : memref<16xi32, #tpu.memory_space<vmem>>) semaphore(%arg7 : memref<!tpu.dma_semaphore, #tpu.memory_space<semaphore_mem>>)
    %dma_wait3A = arith.constant 0 : i32
    %dma_wait3A_5 = arith.constant 0 : i32
    %dma_wait3A_6 = tpu.memref_slice %arg2[%dma_wait3A, %dma_wait3A_5] : memref<102400x128xf32, #tpu.memory_space<hbm>> -> memref<102400x128xf32, #tpu.memory_space<hbm>>
    tpu.wait_indirect_dma semaphore(%arg7 : memref<!tpu.dma_semaphore, #tpu.memory_space<semaphore_mem>>) src(%dma_wait3A_6 : memref<102400x128xf32, #tpu.memory_space<hbm>>) dst(%arg6 : memref<16x128xf32, #tpu.memory_space<vmem>>)
    "tpu.region"() ({
      %run_scoped3A = tpu.sem_alloc : memref<!tpu.dma_semaphore, #tpu.memory_space<semaphore_mem>>
      %dma_start3A_7 = arith.constant 0 : i32
      %dma_start3A_8 = tpu.memref_slice %arg4[%mul3A_2, %dma_start3A_7] : memref<512x128xf32, #tpu.memory_space<hbm>> -> memref<16x128xf32, #tpu.memory_space<hbm>>
      %dma_start3A_9 = arith.constant 0 : i32
      %dma_start3A_10 = tpu.memref_slice %arg4[%mul3A_2, %dma_start3A_9] : memref<512x128xf32, #tpu.memory_space<hbm>> -> memref<16x128xf32, #tpu.memory_space<hbm>>
      tpu.enqueue_dma source(%arg6 : memref<16x128xf32, #tpu.memory_space<vmem>>) target(%dma_start3A_10 : memref<16x128xf32, #tpu.memory_space<hbm>>) target_semaphore(%run_scoped3A : memref<!tpu.dma_semaphore, #tpu.memory_space<semaphore_mem>>)
      %dma_wait3A_11 = arith.constant 0 : i32
      %dma_wait3A_12 = tpu.memref_slice %arg4[%mul3A_2, %dma_wait3A_11] : memref<512x128xf32, #tpu.memory_space<hbm>> -> memref<16x128xf32, #tpu.memory_space<hbm>>
      %dma_wait3A_13 = arith.constant 0 : i32
      %dma_wait3A_14 = tpu.memref_slice %arg4[%mul3A_2, %dma_wait3A_13] : memref<512x128xf32, #tpu.memory_space<hbm>> -> memref<16x128xf32, #tpu.memory_space<hbm>>
      tpu.wait_dma2 semaphore(%run_scoped3A : memref<!tpu.dma_semaphore, #tpu.memory_space<semaphore_mem>>) src(%arg6 : memref<16x128xf32, #tpu.memory_space<vmem>>) dst(%dma_wait3A_14 : memref<16x128xf32, #tpu.memory_space<hbm>>)
      tpu.yield
    }) : () -> ()
    return
  }
}

module attributes {stable_mosaic.version = 14 : i64} {
  func.func @_k1_body(%arg0: i32, %arg1: i32, %arg2: memref<1x80x16x160xf32, #tpu.memory_space<vmem>>, %arg3: memref<1x1x16x160xf32, #tpu.memory_space<vmem>>, %arg4: memref<1x4x16x160xf32, #tpu.memory_space<vmem>>, %arg5: memref<2560x2xf32, #tpu.memory_space<vmem>>, %arg6: memref<1x1x2560xf32, #tpu.memory_space<vmem>>, %arg7: memref<1x2560x128xf32, #tpu.memory_space<vmem>>) attributes {dimension_semantics = [#tpu.dimension_semantics<arbitrary>, #tpu.dimension_semantics<arbitrary>], iteration_bounds = array<i64: 4, 10>, scalar_prefetch = 0 : i64, scratch_operands = 0 : i64, tpu.core_type = #tpu.core_type<tc>, window_params = [{transform_indices = @transform_0, window_bounds = array<i64: 1, 80, 16, 160>}, {transform_indices = @transform_1, window_bounds = array<i64: 1, 1, 16, 160>}, {transform_indices = @transform_2, window_bounds = array<i64: 1, 4, 16, 160>}, {transform_indices = @transform_3, window_bounds = array<i64: 2560, 2>}, {transform_indices = @transform_4, window_bounds = array<i64: 1, 1, 2560>}, {transform_indices = @transform_5, window_bounds = array<i64: 1, 2560, 128>}]} {
    %get3A = arith.constant 0 : index
    %get3A_0 = arith.constant 0 : index
    %get3A_1 = arith.constant 0 : index
    %get3A_2 = arith.constant 0 : index
    %get3A_3 = vector.load %arg2[%get3A, %get3A_0, %get3A_1, %get3A_2] : memref<1x80x16x160xf32, #tpu.memory_space<vmem>>, vector<1x80x16x160xf32>
    %get3A_4 = vector.shape_cast %get3A_3 : vector<1x80x16x160xf32> to vector<80x16x160xf32>
    %reshape3A = vector.shape_cast %get3A_4 : vector<80x16x160xf32> to vector<80x2560xf32>
    %get3A_5 = arith.constant 0 : index
    %get3A_6 = arith.constant 0 : index
    %get3A_7 = arith.constant 0 : index
    %get3A_8 = arith.constant 0 : index
    %get3A_9 = vector.load %arg3[%get3A_5, %get3A_6, %get3A_7, %get3A_8] : memref<1x1x16x160xf32, #tpu.memory_space<vmem>>, vector<1x1x16x160xf32>
    %get3A_10 = vector.shape_cast %get3A_9 : vector<1x1x16x160xf32> to vector<16x160xf32>
    %reshape3A_11 = vector.shape_cast %get3A_10 : vector<16x160xf32> to vector<1x2560xf32>
    %reduce_max3A = arith.constant dense<0xFF800000> : vector<2560xf32>
    %reduce_max3A_12 = vector.multi_reduction <maximumf>, %reshape3A, %reduce_max3A [0] : vector<80x2560xf32> to vector<2560xf32>
    %broadcast_in_dim3A = vector.shape_cast %reduce_max3A_12 : vector<2560xf32> to vector<1x2560xf32>
    %neg3A = arith.constant 0.000000e+00 : f32
    %neg3A_13 = vector.broadcast %neg3A : f32 to vector<1x2560xf32>
    %neg3A_14 = arith.subf %neg3A_13, %broadcast_in_dim3A : vector<1x2560xf32>
    %exp3A = math.exp %neg3A_14 : vector<1x2560xf32>
    %add3A = arith.constant 1.000000e+00 : f32
    %add3A_15 = vector.broadcast %add3A : f32 to vector<1x2560xf32>
    %add3A_16 = arith.addf %add3A_15, %exp3A : vector<1x2560xf32>
    %div3A = arith.constant 1.000000e+00 : f32
    %div3A_17 = vector.broadcast %div3A : f32 to vector<1x2560xf32>
    %div3A_18 = arith.divf %div3A_17, %add3A_16 : vector<1x2560xf32>
    %neg3A_19 = arith.constant 0.000000e+00 : f32
    %neg3A_20 = vector.broadcast %neg3A_19 : f32 to vector<1x2560xf32>
    %neg3A_21 = arith.subf %neg3A_20, %reshape3A_11 : vector<1x2560xf32>
    %exp3A_22 = math.exp %neg3A_21 : vector<1x2560xf32>
    %add3A_23 = arith.constant 1.000000e+00 : f32
    %add3A_24 = vector.broadcast %add3A_23 : f32 to vector<1x2560xf32>
    %add3A_25 = arith.addf %add3A_24, %exp3A_22 : vector<1x2560xf32>
    %div3A_26 = arith.constant 1.000000e+00 : f32
    %div3A_27 = vector.broadcast %div3A_26 : f32 to vector<1x2560xf32>
    %div3A_28 = arith.divf %div3A_27, %add3A_25 : vector<1x2560xf32>
    %gt3A = arith.constant 2.000000e-01 : f32
    %gt3A_29 = vector.broadcast %gt3A : f32 to vector<1x2560xf32>
    %gt3A_30 = arith.cmpf ogt, %div3A_18, %gt3A_29 : vector<1x2560xf32>
    %mul3A = arith.mulf %div3A_18, %div3A_28 : vector<1x2560xf32>
    %jit3A = arith.constant -1.000000e+00 : f32
    %broadcast_in_dim3A_31 = vector.broadcast %jit3A : f32 to vector<1x2560xf32>
    %select_n3A = arith.select %gt3A_30, %mul3A, %broadcast_in_dim3A_31 : vector<1x2560xi1>, vector<1x2560xf32>
    %squeeze3A = vector.shape_cast %select_n3A : vector<1x2560xf32> to vector<2560xf32>
    %swap3A = arith.constant 0 : index
    %swap3A_32 = arith.constant 0 : index
    %swap3A_33 = arith.constant 0 : index
    %swap3A_34 = vector.load %arg6[%swap3A, %swap3A_32, %swap3A_33] : memref<1x1x2560xf32, #tpu.memory_space<vmem>>, vector<1x1x2560xf32>
    %swap3A_35 = vector.shape_cast %swap3A_34 : vector<1x1x2560xf32> to vector<2560xf32>
    %swap3A_36 = vector.shape_cast %squeeze3A : vector<2560xf32> to vector<1x1x2560xf32>
    tpu.vector_store %arg6[%swap3A, %swap3A_32, %swap3A_33], %swap3A_36 {strides = array<i32>} : memref<1x1x2560xf32, #tpu.memory_space<vmem>>, vector<1x1x2560xf32>,
    %get3A_37 = arith.constant 0 : index
    %get3A_38 = arith.constant 0 : index
    %get3A_39 = arith.constant 0 : index
    %get3A_40 = arith.constant 0 : index
    %get3A_41 = vector.load %arg4[%get3A_37, %get3A_38, %get3A_39, %get3A_40] : memref<1x4x16x160xf32, #tpu.memory_space<vmem>>, vector<1x4x16x160xf32>
    %get3A_42 = vector.shape_cast %get3A_41 : vector<1x4x16x160xf32> to vector<4x16x160xf32>
    %reshape3A_43 = vector.shape_cast %get3A_42 : vector<4x16x160xf32> to vector<4x2560xf32>
    %get3A_44 = arith.constant 0 : index
    %get3A_45 = arith.constant 0 : index
    %get3A_46 = vector.load %arg5[%get3A_44, %get3A_45] : memref<2560x2xf32, #tpu.memory_space<vmem>>, vector<2560x2xf32>
    %transpose3A = tpu.transpose %get3A_46, [1, 0] : vector<2560x2xf32> -> vector<2x2560xf32>
    %broadcast_in_dim3A_47 = arith.constant 0.000000e+00 : f32
    %broadcast_in_dim3A_48 = vector.broadcast %broadcast_in_dim3A_47 : f32 to vector<41x2560xf32>
    %concatenate3A = tpu.concatenate %reshape3A, %reshape3A_43, %transpose3A, %reshape3A_11, %broadcast_in_dim3A_48 in 0 : vector<80x2560xf32>, vector<4x2560xf32>, vector<2x2560xf32>, vector<1x2560xf32>, vector<41x2560xf32> -> vector<128x2560xf32>
    %transpose3A_49 = tpu.transpose %concatenate3A, [1, 0] : vector<128x2560xf32> -> vector<2560x128xf32>
    %swap3A_50 = arith.constant 0 : index
    %swap3A_51 = arith.constant 0 : index
    %swap3A_52 = arith.constant 0 : index
    %swap3A_53 = vector.load %arg7[%swap3A_50, %swap3A_51, %swap3A_52] : memref<1x2560x128xf32, #tpu.memory_space<vmem>>, vector<1x2560x128xf32>
    %swap3A_54 = vector.shape_cast %swap3A_53 : vector<1x2560x128xf32> to vector<2560x128xf32>
    %swap3A_55 = vector.shape_cast %transpose3A_49 : vector<2560x128xf32> to vector<1x2560x128xf32>
    tpu.vector_store %arg7[%swap3A_50, %swap3A_51, %swap3A_52], %swap3A_55 {strides = array<i32>} : memref<1x2560x128xf32, #tpu.memory_space<vmem>>, vector<1x2560x128xf32>,
    return
  }
  func.func @transform_0(%arg0: i32, %arg1: i32) -> (i32, i32, i32, i32) {
    %c0_i32 = arith.constant 0 : i32
    %c0_i32_0 = arith.constant 0 : i32
    %c0_i32_1 = arith.constant 0 : i32
    return %arg0, %c0_i32, %arg1, %c0_i32_0 : i32, i32, i32, i32
  }
  func.func @transform_1(%arg0: i32, %arg1: i32) -> (i32, i32, i32, i32) {
    %c0_i32 = arith.constant 0 : i32
    %c0_i32_0 = arith.constant 0 : i32
    %c0_i32_1 = arith.constant 0 : i32
    return %arg0, %c0_i32, %arg1, %c0_i32_0 : i32, i32, i32, i32
  }
  func.func @transform_2(%arg0: i32, %arg1: i32) -> (i32, i32, i32, i32) {
    %c0_i32 = arith.constant 0 : i32
    %c0_i32_0 = arith.constant 0 : i32
    %c0_i32_1 = arith.constant 0 : i32
    return %arg0, %c0_i32, %arg1, %c0_i32_0 : i32, i32, i32, i32
  }
  func.func @transform_3(%arg0: i32, %arg1: i32) -> (i32, i32) {
    %c0_i32 = arith.constant 0 : i32
    %c0_i32_0 = arith.constant 0 : i32
    return %arg1, %c0_i32 : i32, i32
  }
  func.func @transform_4(%arg0: i32, %arg1: i32) -> (i32, i32, i32) {
    %mul3A = arith.constant 10 : i32
    %mul3A_0 = arith.muli %arg0, %mul3A : i32
    %add3A = arith.addi %mul3A_0, %arg1 : i32
    %c0_i32 = arith.constant 0 : i32
    %c0_i32_1 = arith.constant 0 : i32
    %c0_i32_2 = arith.constant 0 : i32
    return %add3A, %c0_i32, %c0_i32_1 : i32, i32, i32
  }
  func.func @transform_5(%arg0: i32, %arg1: i32) -> (i32, i32, i32) {
    %mul3A = arith.constant 10 : i32
    %mul3A_0 = arith.muli %arg0, %mul3A : i32
    %add3A = arith.addi %mul3A_0, %arg1 : i32
    %c0_i32 = arith.constant 0 : i32
    %c0_i32_1 = arith.constant 0 : i32
    %c0_i32_2 = arith.constant 0 : i32
    return %add3A, %c0_i32, %c0_i32_1 : i32, i32, i32
  }
}

module attributes {stable_mosaic.version = 14 : i64} {
  func.func @_k2_body(%arg0: memref<4x25600xf32, #tpu.memory_space<vmem>>, %arg1: memref<4x128xi32, #tpu.memory_space<vmem>>, %arg2: memref<4x128xi32, #tpu.memory_space<vmem>>) attributes {dimension_semantics = [], scalar_prefetch = 0 : i64, scratch_operands = 0 : i64, tpu.core_type = #tpu.core_type<tc>} {
    %get3A = arith.constant 0 : index
    %get3A_0 = arith.constant 0 : index
    %get3A_1 = vector.load %arg0[%get3A, %get3A_0] : memref<4x25600xf32, #tpu.memory_space<vmem>>, vector<4x25600xf32>
    %iota3A = tpu.iota {dimensions = array<i32: 1>} : vector<4x25600xi32>
    %iota3A_2 = tpu.iota {dimensions = array<i32: 1>} : vector<4x128xi32>
    %broadcast_in_dim3A = arith.constant -1 : i32
    %broadcast_in_dim3A_3 = vector.broadcast %broadcast_in_dim3A : i32 to vector<4x128xi32>
    %scan3A = arith.constant 0 : i32
    %scan3A_4 = arith.constant 100 : i32
    %scan3A_5 = arith.addi %scan3A, %scan3A_4 : i32
    %scan3A_6 = arith.constant 1 : i32
    %scan3A_7:2 = scf.for %scan3A_19 = %scan3A to %scan3A_5 step %scan3A_6 iter_args(%scan3A_20 = %get3A_1, %scan3A_21 = %broadcast_in_dim3A_3) -> (vector<4x25600xf32>, vector<4x128xi32>)  : i32 {
      %reduce_max3A = arith.constant dense<0xFF800000> : vector<4xf32>
      %reduce_max3A_22 = vector.multi_reduction <maximumf>, %scan3A_20, %reduce_max3A [1] : vector<4x25600xf32> to vector<4xf32>
      %broadcast_in_dim3A_23 = vector.shape_cast %reduce_max3A_22 : vector<4xf32> to vector<4x1xf32>
      %eq3A = vector.broadcast %broadcast_in_dim3A_23 : vector<4x1xf32> to vector<4x25600xf32>
      %eq3A_24 = arith.cmpf oeq, %scan3A_20, %eq3A : vector<4x25600xf32>
      %jit3A = arith.constant 1073741824 : i32
      %broadcast_in_dim3A_25 = vector.broadcast %jit3A : i32 to vector<4x25600xi32>
      %select_n3A = arith.select %eq3A_24, %iota3A, %broadcast_in_dim3A_25 : vector<4x25600xi1>, vector<4x25600xi32>
      %reduce_min3A = arith.constant dense<2147483647> : vector<4xi32>
      %reduce_min3A_26 = vector.multi_reduction <minsi>, %select_n3A, %reduce_min3A [1] : vector<4x25600xi32> to vector<4xi32>
      %broadcast_in_dim3A_27 = vector.shape_cast %reduce_min3A_26 : vector<4xi32> to vector<4x1xi32>
      %eq3A_28 = vector.broadcast %scan3A_19 : i32 to vector<4x128xi32>
      %eq3A_29 = arith.cmpi eq, %iota3A_2, %eq3A_28 : vector<4x128xi32>
      %broadcast_in_dim3A_30 = vector.shape_cast %broadcast_in_dim3A_27 : vector<4x1xi32> to vector<4x1xi32>
      %broadcast_in_dim3A_31 = vector.broadcast %broadcast_in_dim3A_30 : vector<4x1xi32> to vector<4x128xi32>
      %select_n3A_32 = arith.select %eq3A_29, %broadcast_in_dim3A_31, %scan3A_21 : vector<4x128xi1>, vector<4x128xi32>
      %eq3A_33 = vector.broadcast %broadcast_in_dim3A_27 : vector<4x1xi32> to vector<4x25600xi32>
      %eq3A_34 = arith.cmpi eq, %iota3A, %eq3A_33 : vector<4x25600xi32>
      %jit3A_35 = arith.constant -2.000000e+00 : f32
      %broadcast_in_dim3A_36 = vector.broadcast %jit3A_35 : f32 to vector<4x25600xf32>
      %select_n3A_37 = arith.select %eq3A_34, %broadcast_in_dim3A_36, %scan3A_20 : vector<4x25600xi1>, vector<4x25600xf32>
      scf.yield %select_n3A_37, %select_n3A_32 : vector<4x25600xf32>, vector<4x128xi32>
    }
    %scan3A_8 = arith.constant 100 : i32
    %swap3A = arith.constant 0 : index
    %swap3A_9 = arith.constant 0 : index
    %swap3A_10 = vector.load %arg1[%swap3A, %swap3A_9] : memref<4x128xi32, #tpu.memory_space<vmem>>, vector<4x128xi32>
    tpu.vector_store %arg1[%swap3A, %swap3A_9], %scan3A_7#1 {strides = array<i32>} : memref<4x128xi32, #tpu.memory_space<vmem>>, vector<4x128xi32>,
    %iota3A_11 = tpu.iota {dimensions = array<i32: 0>} : vector<4x128xi32>
    %max3A = arith.constant 0 : i32
    %max3A_12 = vector.broadcast %max3A : i32 to vector<4x128xi32>
    %max3A_13 = arith.maxsi %scan3A_7#1, %max3A_12 : vector<4x128xi32>
    %mul3A = arith.constant 25600 : i32
    %mul3A_14 = vector.broadcast %mul3A : i32 to vector<4x128xi32>
    %mul3A_15 = arith.muli %iota3A_11, %mul3A_14 : vector<4x128xi32>
    %add3A = arith.addi %max3A_13, %mul3A_15 : vector<4x128xi32>
    %swap3A_16 = arith.constant 0 : index
    %swap3A_17 = arith.constant 0 : index
    %swap3A_18 = vector.load %arg2[%swap3A_16, %swap3A_17] : memref<4x128xi32, #tpu.memory_space<vmem>>, vector<4x128xi32>
    tpu.vector_store %arg2[%swap3A_16, %swap3A_17], %add3A {strides = array<i32>} : memref<4x128xi32, #tpu.memory_space<vmem>>, vector<4x128xi32>,
    return
  }
}

module attributes {stable_mosaic.version = 14 : i64} {
  func.func @_k4_body(%arg0: memref<4x128x128xf32, #tpu.memory_space<vmem>>, %arg1: memref<4x128xi32, #tpu.memory_space<vmem>>, %arg2: memref<1x2xi32, #tpu.memory_space<vmem>>, %arg3: memref<4x4x128xf32, #tpu.memory_space<vmem>>, %arg4: memref<4x128xf32, #tpu.memory_space<vmem>>, %arg5: memref<4x128xi32, #tpu.memory_space<vmem>>, %arg6: memref<4x128xi32, #tpu.memory_space<vmem>>, %arg7: memref<4x128x128xf32, #tpu.memory_space<vmem>>) attributes {dimension_semantics = [], scalar_prefetch = 0 : i64, scratch_operands = 1 : i64, tpu.core_type = #tpu.core_type<tc>} {
    %get3A = arith.constant 0 : index
    %get3A_0 = arith.constant 0 : index
    %get3A_1 = arith.constant 0 : index
    %get3A_2 = vector.load %arg0[%get3A, %get3A_0, %get3A_1] : memref<4x128x128xf32, #tpu.memory_space<vmem>>, vector<4x128x128xf32>
    %slice3A = vector.extract_strided_slice %get3A_2 {offsets = [0, 0, 0], sizes = [4, 128, 80], strides = [1, 1, 1]} : vector<4x128x128xf32> to vector<4x128x80xf32>
    %neg3A = arith.constant 0.000000e+00 : f32
    %neg3A_3 = vector.broadcast %neg3A : f32 to vector<4x128x80xf32>
    %neg3A_4 = arith.subf %neg3A_3, %slice3A : vector<4x128x80xf32>
    %exp3A = math.exp %neg3A_4 : vector<4x128x80xf32>
    %add3A = arith.constant 1.000000e+00 : f32
    %add3A_5 = vector.broadcast %add3A : f32 to vector<4x128x80xf32>
    %add3A_6 = arith.addf %add3A_5, %exp3A : vector<4x128x80xf32>
    %div3A = arith.constant 1.000000e+00 : f32
    %div3A_7 = vector.broadcast %div3A : f32 to vector<4x128x80xf32>
    %div3A_8 = arith.divf %div3A_7, %add3A_6 : vector<4x128x80xf32>
    %slice3A_9 = vector.extract_strided_slice %get3A_2 {offsets = [0, 0, 86], sizes = [4, 128, 1], strides = [1, 1, 1]} : vector<4x128x128xf32> to vector<4x128x1xf32>
    %neg3A_10 = arith.constant 0.000000e+00 : f32
    %neg3A_11 = vector.broadcast %neg3A_10 : f32 to vector<4x128x1xf32>
    %neg3A_12 = arith.subf %neg3A_11, %slice3A_9 : vector<4x128x1xf32>
    %exp3A_13 = math.exp %neg3A_12 : vector<4x128x1xf32>
    %add3A_14 = arith.constant 1.000000e+00 : f32
    %add3A_15 = vector.broadcast %add3A_14 : f32 to vector<4x128x1xf32>
    %add3A_16 = arith.addf %add3A_15, %exp3A_13 : vector<4x128x1xf32>
    %div3A_17 = arith.constant 1.000000e+00 : f32
    %div3A_18 = vector.broadcast %div3A_17 : f32 to vector<4x128x1xf32>
    %div3A_19 = arith.divf %div3A_18, %add3A_16 : vector<4x128x1xf32>
    %gt3A = arith.constant 2.000000e-01 : f32
    %gt3A_20 = vector.broadcast %gt3A : f32 to vector<4x128x80xf32>
    %gt3A_21 = arith.cmpf ogt, %div3A_8, %gt3A_20 : vector<4x128x80xf32>
    %mul3A = vector.broadcast %div3A_19 : vector<4x128x1xf32> to vector<4x128x80xf32>
    %mul3A_22 = arith.mulf %div3A_8, %mul3A : vector<4x128x80xf32>
    %jit3A = arith.constant -1.000000e+00 : f32
    %broadcast_in_dim3A = vector.broadcast %jit3A : f32 to vector<4x128x80xf32>
    %select_n3A = arith.select %gt3A_21, %mul3A_22, %broadcast_in_dim3A : vector<4x128x80xi1>, vector<4x128x80xf32>
    %get3A_23 = arith.constant 0 : index
    %get3A_24 = arith.constant 0 : index
    %get3A_25 = vector.load %arg1[%get3A_23, %get3A_24] : memref<4x128xi32, #tpu.memory_space<vmem>>, vector<4x128xi32>
    %iota3A = tpu.iota {dimensions = array<i32: 2>} : vector<4x128x80xi32>
    %iota3A_26 = tpu.iota {dimensions = array<i32: 1>} : vector<4x128x80xi32>
    %broadcast_in_dim3A_27 = vector.shape_cast %get3A_25 : vector<4x128xi32> to vector<4x128x1xi32>
    %mul3A_28 = arith.constant 80 : i32
    %mul3A_29 = vector.broadcast %mul3A_28 : i32 to vector<4x128x1xi32>
    %mul3A_30 = arith.muli %broadcast_in_dim3A_27, %mul3A_29 : vector<4x128x1xi32>
    %add3A_31 = vector.broadcast %mul3A_30 : vector<4x128x1xi32> to vector<4x128x80xi32>
    %add3A_32 = arith.addi %add3A_31, %iota3A : vector<4x128x80xi32>
    %iota3A_33 = tpu.iota {dimensions = array<i32: 1>} : vector<4x128xi32>
    %broadcast_in_dim3A_34 = vector.shape_cast %get3A_25 : vector<4x128xi32> to vector<4x128x1xi32>
    %lt3A = arith.constant 0 : i32
    %lt3A_35 = vector.broadcast %lt3A : i32 to vector<4x128x1xi32>
    %lt3A_36 = arith.cmpi slt, %broadcast_in_dim3A_34, %lt3A_35 : vector<4x128x1xi32>
    %jit3A_37 = arith.constant 0xFF800000 : f32
    %broadcast_in_dim3A_38 = vector.shape_cast %lt3A_36 : vector<4x128x1xi1> to vector<4x128x1xi1>
    %broadcast_in_dim3A_39 = vector.broadcast %broadcast_in_dim3A_38 : vector<4x128x1xi1> to vector<4x128x80xi1>
    %broadcast_in_dim3A_40 = vector.broadcast %jit3A_37 : f32 to vector<4x128x80xf32>
    %select_n3A_41 = arith.select %broadcast_in_dim3A_39, %broadcast_in_dim3A_40, %select_n3A : vector<4x128x80xi1>, vector<4x128x80xf32>
    %broadcast_in_dim3A_42 = arith.constant 0.000000e+00 : f32
    %broadcast_in_dim3A_43 = vector.broadcast %broadcast_in_dim3A_42 : f32 to vector<4x128xf32>
    %broadcast_in_dim3A_44 = arith.constant 0 : i32
    %broadcast_in_dim3A_45 = vector.broadcast %broadcast_in_dim3A_44 : i32 to vector<4x128xi32>
    %broadcast_in_dim3A_46 = arith.constant 0 : i32
    %broadcast_in_dim3A_47 = vector.broadcast %broadcast_in_dim3A_46 : i32 to vector<4x128xi32>
    %scan3A = arith.constant 0 : i32
    %scan3A_48 = arith.constant 100 : i32
    %scan3A_49 = arith.addi %scan3A, %scan3A_48 : i32
    %scan3A_50 = arith.constant 1 : i32
    %scan3A_51:4 = scf.for %scan3A_270 = %scan3A to %scan3A_49 step %scan3A_50 iter_args(%scan3A_271 = %select_n3A_41, %scan3A_272 = %broadcast_in_dim3A_43, %scan3A_273 = %broadcast_in_dim3A_45, %scan3A_274 = %broadcast_in_dim3A_47) -> (vector<4x128x80xf32>, vector<4x128xf32>, vector<4x128xi32>, vector<4x128xi32>)  : i32 {
      %reduce_max3A = arith.constant dense<0xFF800000> : vector<4x128xf32>
      %reduce_max3A_275 = vector.multi_reduction <maximumf>, %scan3A_271, %reduce_max3A [2] : vector<4x128x80xf32> to vector<4x128xf32>
      %reduce_max3A_276 = arith.constant dense<0xFF800000> : vector<4xf32>
      %reduce_max3A_277 = vector.multi_reduction <maximumf>, %reduce_max3A_275, %reduce_max3A_276 [1] : vector<4x128xf32> to vector<4xf32>
      %broadcast_in_dim3A_278 = vector.shape_cast %reduce_max3A_277 : vector<4xf32> to vector<4x1x1xf32>
      %eq3A_279 = vector.broadcast %broadcast_in_dim3A_278 : vector<4x1x1xf32> to vector<4x128x80xf32>
      %eq3A_280 = arith.cmpf oeq, %scan3A_271, %eq3A_279 : vector<4x128x80xf32>
      %jit3A_281 = arith.constant 1073741824 : i32
      %broadcast_in_dim3A_282 = vector.broadcast %jit3A_281 : i32 to vector<4x128x80xi32>
      %select_n3A_283 = arith.select %eq3A_280, %add3A_32, %broadcast_in_dim3A_282 : vector<4x128x80xi1>, vector<4x128x80xi32>
      %reduce_min3A = arith.constant dense<2147483647> : vector<4x128xi32>
      %reduce_min3A_284 = vector.multi_reduction <minsi>, %select_n3A_283, %reduce_min3A [2] : vector<4x128x80xi32> to vector<4x128xi32>
      %reduce_min3A_285 = arith.constant dense<2147483647> : vector<4xi32>
      %reduce_min3A_286 = vector.multi_reduction <minsi>, %reduce_min3A_284, %reduce_min3A_285 [1] : vector<4x128xi32> to vector<4xi32>
      %broadcast_in_dim3A_287 = vector.shape_cast %reduce_min3A_286 : vector<4xi32> to vector<4x1x1xi32>
      %eq3A_288 = vector.broadcast %broadcast_in_dim3A_287 : vector<4x1x1xi32> to vector<4x128x80xi32>
      %eq3A_289 = arith.cmpi eq, %add3A_32, %eq3A_288 : vector<4x128x80xi32>
      %and3A_290 = arith.andi %eq3A_280, %eq3A_289 : vector<4x128x80xi1>
      %jit3A_291 = arith.constant 1073741824 : i32
      %broadcast_in_dim3A_292 = vector.broadcast %jit3A_291 : i32 to vector<4x128x80xi32>
      %select_n3A_293 = arith.select %and3A_290, %iota3A_26, %broadcast_in_dim3A_292 : vector<4x128x80xi1>, vector<4x128x80xi32>
      %reduce_min3A_294 = arith.constant dense<2147483647> : vector<4x128xi32>
      %reduce_min3A_295 = vector.multi_reduction <minsi>, %select_n3A_293, %reduce_min3A_294 [2] : vector<4x128x80xi32> to vector<4x128xi32>
      %reduce_min3A_296 = arith.constant dense<2147483647> : vector<4xi32>
      %reduce_min3A_297 = vector.multi_reduction <minsi>, %reduce_min3A_295, %reduce_min3A_296 [1] : vector<4x128xi32> to vector<4xi32>
      %jit3A_298 = arith.constant 80 : i32
      %eq3A_299 = arith.constant 0 : i32
      %eq3A_300 = arith.cmpi eq, %jit3A_298, %eq3A_299 : i32
      %jit3A_301 = arith.constant 1 : i32
      %select_n3A_302 = arith.select %eq3A_300, %jit3A_301, %jit3A_298 : i32
      %rem3A = vector.broadcast %select_n3A_302 : i32 to vector<4xi32>
      %rem3A_303 = arith.remsi %reduce_min3A_286, %rem3A : vector<4xi32>
      %ne3A = arith.constant 0 : i32
      %ne3A_304 = vector.broadcast %ne3A : i32 to vector<4xi32>
      %ne3A_305 = arith.cmpi ne, %rem3A_303, %ne3A_304 : vector<4xi32>
      %lt3A_306 = arith.constant 0 : i32
      %lt3A_307 = vector.broadcast %lt3A_306 : i32 to vector<4xi32>
      %lt3A_308 = arith.cmpi slt, %rem3A_303, %lt3A_307 : vector<4xi32>
      %lt3A_309 = arith.constant 0 : i32
      %lt3A_310 = arith.cmpi slt, %select_n3A_302, %lt3A_309 : i32
      %ne3A_311 = vector.broadcast %lt3A_310 : i1 to vector<4xi1>
      %ne3A_312 = vector.broadcast %ne3A_311 : vector<4xi1> to vector<4xi1>
      %ne3A_313 = arith.xori %lt3A_308, %ne3A_312 : vector<4xi1>
      %and3A_314 = arith.andi %ne3A_313, %ne3A_305 : vector<4xi1>
      %add3A_315 = vector.broadcast %select_n3A_302 : i32 to vector<4xi32>
      %add3A_316 = arith.addi %rem3A_303, %add3A_315 : vector<4xi32>
      %select_n3A_317 = arith.select %and3A_314, %add3A_316, %rem3A_303 : vector<4xi1>, vector<4xi32>
      %eq3A_318 = vector.broadcast %scan3A_270 : i32 to vector<4x128xi32>
      %eq3A_319 = arith.cmpi eq, %iota3A_33, %eq3A_318 : vector<4x128xi32>
      %broadcast_in_dim3A_320 = vector.shape_cast %reduce_max3A_277 : vector<4xf32> to vector<4x1xf32>
      %broadcast_in_dim3A_321 = vector.shape_cast %broadcast_in_dim3A_320 : vector<4x1xf32> to vector<4x1xf32>
      %broadcast_in_dim3A_322 = vector.broadcast %broadcast_in_dim3A_321 : vector<4x1xf32> to vector<4x128xf32>
      %select_n3A_323 = arith.select %eq3A_319, %broadcast_in_dim3A_322, %scan3A_272 : vector<4x128xi1>, vector<4x128xf32>
      %broadcast_in_dim3A_324 = vector.shape_cast %reduce_min3A_297 : vector<4xi32> to vector<4x1xi32>
      %broadcast_in_dim3A_325 = vector.shape_cast %broadcast_in_dim3A_324 : vector<4x1xi32> to vector<4x1xi32>
      %broadcast_in_dim3A_326 = vector.broadcast %broadcast_in_dim3A_325 : vector<4x1xi32> to vector<4x128xi32>
      %select_n3A_327 = arith.select %eq3A_319, %broadcast_in_dim3A_326, %scan3A_273 : vector<4x128xi1>, vector<4x128xi32>
      %broadcast_in_dim3A_328 = vector.shape_cast %select_n3A_317 : vector<4xi32> to vector<4x1xi32>
      %broadcast_in_dim3A_329 = vector.shape_cast %broadcast_in_dim3A_328 : vector<4x1xi32> to vector<4x1xi32>
      %broadcast_in_dim3A_330 = vector.broadcast %broadcast_in_dim3A_329 : vector<4x1xi32> to vector<4x128xi32>
      %select_n3A_331 = arith.select %eq3A_319, %broadcast_in_dim3A_330, %scan3A_274 : vector<4x128xi1>, vector<4x128xi32>
      %eq3A_332 = vector.broadcast %broadcast_in_dim3A_287 : vector<4x1x1xi32> to vector<4x128x80xi32>
      %eq3A_333 = arith.cmpi eq, %add3A_32, %eq3A_332 : vector<4x128x80xi32>
      %jit3A_334 = arith.constant 0xFF800000 : f32
      %broadcast_in_dim3A_335 = vector.broadcast %jit3A_334 : f32 to vector<4x128x80xf32>
      %select_n3A_336 = arith.select %eq3A_333, %broadcast_in_dim3A_335, %scan3A_271 : vector<4x128x80xi1>, vector<4x128x80xf32>
      scf.yield %select_n3A_336, %select_n3A_323, %select_n3A_327, %select_n3A_331 : vector<4x128x80xf32>, vector<4x128xf32>, vector<4x128xi32>, vector<4x128xi32>
    }
    %scan3A_52 = arith.constant 100 : i32
    %slice3A_53 = vector.extract_strided_slice %scan3A_51#2 {offsets = [0, 0], sizes = [1, 128], strides = [1, 1]} : vector<4x128xi32> to vector<1x128xi32>
    %squeeze3A = vector.shape_cast %slice3A_53 : vector<1x128xi32> to vector<128xi32>
    %broadcast_in_dim3A_54 = vector.shape_cast %squeeze3A : vector<128xi32> to vector<128x1xi32>
    %iota3A_55 = tpu.iota {dimensions = array<i32: 1>} : vector<128x128xi32>
    %eq3A = vector.broadcast %broadcast_in_dim3A_54 : vector<128x1xi32> to vector<128x128xi32>
    %eq3A_56 = arith.cmpi eq, %eq3A, %iota3A_55 : vector<128x128xi32>
    %convert_element_type3A = arith.extui %eq3A_56 : vector<128x128xi1> to vector<128x128xi32>
    %convert_element_type3A_57 = arith.sitofp %convert_element_type3A : vector<128x128xi32> to vector<128x128xf32>
    %slice3A_58 = vector.extract_strided_slice %get3A_2 {offsets = [0, 0, 80], sizes = [1, 128, 6], strides = [1, 1, 1]} : vector<4x128x128xf32> to vector<1x128x6xf32>
    %squeeze3A_59 = vector.shape_cast %slice3A_58 : vector<1x128x6xf32> to vector<128x6xf32>
    %dot_general3A = arith.constant dense<0.000000e+00> : vector<6x128xf32>
    %dot_general3A_60 = tpu.matmul %squeeze3A_59, %convert_element_type3A_57, %dot_general3A {dimension_numbers = #tpu.dot_dimension_numbers<[0], [1], [1], [0], [0, 1, 1, 0], [], []>, precision = #tpu.contract_precision<fp32>, transpose_lhs_hint = false} : vector<128x6xf32>, vector<128x128xf32>, vector<6x128xf32> -> vector<6x128xf32>
    %slice3A_61 = vector.extract_strided_slice %scan3A_51#2 {offsets = [1, 0], sizes = [1, 128], strides = [1, 1]} : vector<4x128xi32> to vector<1x128xi32>
    %squeeze3A_62 = vector.shape_cast %slice3A_61 : vector<1x128xi32> to vector<128xi32>
    %broadcast_in_dim3A_63 = vector.shape_cast %squeeze3A_62 : vector<128xi32> to vector<128x1xi32>
    %iota3A_64 = tpu.iota {dimensions = array<i32: 1>} : vector<128x128xi32>
    %eq3A_65 = vector.broadcast %broadcast_in_dim3A_63 : vector<128x1xi32> to vector<128x128xi32>
    %eq3A_66 = arith.cmpi eq, %eq3A_65, %iota3A_64 : vector<128x128xi32>
    %convert_element_type3A_67 = arith.extui %eq3A_66 : vector<128x128xi1> to vector<128x128xi32>
    %convert_element_type3A_68 = arith.sitofp %convert_element_type3A_67 : vector<128x128xi32> to vector<128x128xf32>
    %slice3A_69 = vector.extract_strided_slice %get3A_2 {offsets = [1, 0, 80], sizes = [1, 128, 6], strides = [1, 1, 1]} : vector<4x128x128xf32> to vector<1x128x6xf32>
    %squeeze3A_70 = vector.shape_cast %slice3A_69 : vector<1x128x6xf32> to vector<128x6xf32>
    %dot_general3A_71 = arith.constant dense<0.000000e+00> : vector<6x128xf32>
    %dot_general3A_72 = tpu.matmul %squeeze3A_70, %convert_element_type3A_68, %dot_general3A_71 {dimension_numbers = #tpu.dot_dimension_numbers<[0], [1], [1], [0], [0, 1, 1, 0], [], []>, precision = #tpu.contract_precision<fp32>, transpose_lhs_hint = false} : vector<128x6xf32>, vector<128x128xf32>, vector<6x128xf32> -> vector<6x128xf32>
    %slice3A_73 = vector.extract_strided_slice %scan3A_51#2 {offsets = [2, 0], sizes = [1, 128], strides = [1, 1]} : vector<4x128xi32> to vector<1x128xi32>
    %squeeze3A_74 = vector.shape_cast %slice3A_73 : vector<1x128xi32> to vector<128xi32>
    %broadcast_in_dim3A_75 = vector.shape_cast %squeeze3A_74 : vector<128xi32> to vector<128x1xi32>
    %iota3A_76 = tpu.iota {dimensions = array<i32: 1>} : vector<128x128xi32>
    %eq3A_77 = vector.broadcast %broadcast_in_dim3A_75 : vector<128x1xi32> to vector<128x128xi32>
    %eq3A_78 = arith.cmpi eq, %eq3A_77, %iota3A_76 : vector<128x128xi32>
    %convert_element_type3A_79 = arith.extui %eq3A_78 : vector<128x128xi1> to vector<128x128xi32>
    %convert_element_type3A_80 = arith.sitofp %convert_element_type3A_79 : vector<128x128xi32> to vector<128x128xf32>
    %slice3A_81 = vector.extract_strided_slice %get3A_2 {offsets = [2, 0, 80], sizes = [1, 128, 6], strides = [1, 1, 1]} : vector<4x128x128xf32> to vector<1x128x6xf32>
    %squeeze3A_82 = vector.shape_cast %slice3A_81 : vector<1x128x6xf32> to vector<128x6xf32>
    %dot_general3A_83 = arith.constant dense<0.000000e+00> : vector<6x128xf32>
    %dot_general3A_84 = tpu.matmul %squeeze3A_82, %convert_element_type3A_80, %dot_general3A_83 {dimension_numbers = #tpu.dot_dimension_numbers<[0], [1], [1], [0], [0, 1, 1, 0], [], []>, precision = #tpu.contract_precision<fp32>, transpose_lhs_hint = false} : vector<128x6xf32>, vector<128x128xf32>, vector<6x128xf32> -> vector<6x128xf32>
    %slice3A_85 = vector.extract_strided_slice %scan3A_51#2 {offsets = [3, 0], sizes = [1, 128], strides = [1, 1]} : vector<4x128xi32> to vector<1x128xi32>
    %squeeze3A_86 = vector.shape_cast %slice3A_85 : vector<1x128xi32> to vector<128xi32>
    %broadcast_in_dim3A_87 = vector.shape_cast %squeeze3A_86 : vector<128xi32> to vector<128x1xi32>
    %iota3A_88 = tpu.iota {dimensions = array<i32: 1>} : vector<128x128xi32>
    %eq3A_89 = vector.broadcast %broadcast_in_dim3A_87 : vector<128x1xi32> to vector<128x128xi32>
    %eq3A_90 = arith.cmpi eq, %eq3A_89, %iota3A_88 : vector<128x128xi32>
    %convert_element_type3A_91 = arith.extui %eq3A_90 : vector<128x128xi1> to vector<128x128xi32>
    %convert_element_type3A_92 = arith.sitofp %convert_element_type3A_91 : vector<128x128xi32> to vector<128x128xf32>
    %slice3A_93 = vector.extract_strided_slice %get3A_2 {offsets = [3, 0, 80], sizes = [1, 128, 6], strides = [1, 1, 1]} : vector<4x128x128xf32> to vector<1x128x6xf32>
    %squeeze3A_94 = vector.shape_cast %slice3A_93 : vector<1x128x6xf32> to vector<128x6xf32>
    %dot_general3A_95 = arith.constant dense<0.000000e+00> : vector<6x128xf32>
    %dot_general3A_96 = tpu.matmul %squeeze3A_94, %convert_element_type3A_92, %dot_general3A_95 {dimension_numbers = #tpu.dot_dimension_numbers<[0], [1], [1], [0], [0, 1, 1, 0], [], []>, precision = #tpu.contract_precision<fp32>, transpose_lhs_hint = false} : vector<128x6xf32>, vector<128x128xf32>, vector<6x128xf32> -> vector<6x128xf32>
    %stack3A = vector.shape_cast %dot_general3A_60 : vector<6x128xf32> to vector<1x6x128xf32>
    %stack3A_97 = vector.shape_cast %dot_general3A_72 : vector<6x128xf32> to vector<1x6x128xf32>
    %stack3A_98 = vector.shape_cast %dot_general3A_84 : vector<6x128xf32> to vector<1x6x128xf32>
    %stack3A_99 = vector.shape_cast %dot_general3A_96 : vector<6x128xf32> to vector<1x6x128xf32>
    %stack3A_100 = tpu.concatenate %stack3A, %stack3A_97, %stack3A_98, %stack3A_99 in 0 : vector<1x6x128xf32>, vector<1x6x128xf32>, vector<1x6x128xf32>, vector<1x6x128xf32> -> vector<4x6x128xf32>
    %slice3A_101 = vector.extract_strided_slice %stack3A_100 {offsets = [0, 4, 0], sizes = [4, 1, 128], strides = [1, 1, 1]} : vector<4x6x128xf32> to vector<4x1x128xf32>
    %squeeze3A_102 = vector.shape_cast %slice3A_101 : vector<4x1x128xf32> to vector<4x128xf32>
    %slice3A_103 = vector.extract_strided_slice %stack3A_100 {offsets = [0, 5, 0], sizes = [4, 1, 128], strides = [1, 1, 1]} : vector<4x6x128xf32> to vector<4x1x128xf32>
    %squeeze3A_104 = vector.shape_cast %slice3A_103 : vector<4x1x128xf32> to vector<4x128xf32>
    %slice3A_105 = vector.extract_strided_slice %stack3A_100 {offsets = [0, 0, 0], sizes = [4, 1, 128], strides = [1, 1, 1]} : vector<4x6x128xf32> to vector<4x1x128xf32>
    %squeeze3A_106 = vector.shape_cast %slice3A_105 : vector<4x1x128xf32> to vector<4x128xf32>
    %sub3A = arith.subf %squeeze3A_102, %squeeze3A_106 : vector<4x128xf32>
    %slice3A_107 = vector.extract_strided_slice %stack3A_100 {offsets = [0, 1, 0], sizes = [4, 1, 128], strides = [1, 1, 1]} : vector<4x6x128xf32> to vector<4x1x128xf32>
    %squeeze3A_108 = vector.shape_cast %slice3A_107 : vector<4x1x128xf32> to vector<4x128xf32>
    %sub3A_109 = arith.subf %squeeze3A_104, %squeeze3A_108 : vector<4x128xf32>
    %slice3A_110 = vector.extract_strided_slice %stack3A_100 {offsets = [0, 2, 0], sizes = [4, 1, 128], strides = [1, 1, 1]} : vector<4x6x128xf32> to vector<4x1x128xf32>
    %squeeze3A_111 = vector.shape_cast %slice3A_110 : vector<4x1x128xf32> to vector<4x128xf32>
    %add3A_112 = arith.addf %squeeze3A_102, %squeeze3A_111 : vector<4x128xf32>
    %slice3A_113 = vector.extract_strided_slice %stack3A_100 {offsets = [0, 3, 0], sizes = [4, 1, 128], strides = [1, 1, 1]} : vector<4x6x128xf32> to vector<4x1x128xf32>
    %squeeze3A_114 = vector.shape_cast %slice3A_113 : vector<4x1x128xf32> to vector<4x128xf32>
    %add3A_115 = arith.addf %squeeze3A_104, %squeeze3A_114 : vector<4x128xf32>
    %get3A_116 = arith.constant 0 : index
    %get3A_117 = arith.constant 0 : index
    %get3A_118 = vector.load %arg2[%get3A_116, %get3A_117] : memref<1x2xi32, #tpu.memory_space<vmem>>, vector<1x1xi32>
    %get3A_119 = vector.extract %get3A_118[0, 0] : i32 from vector<1x1xi32>
    %convert_element_type3A_120 = arith.sitofp %get3A_119 : i32 to f32
    %get3A_121 = arith.constant 0 : index
    %get3A_122 = arith.constant 1 : index
    %get3A_123 = vector.load %arg2[%get3A_121, %get3A_122] : memref<1x2xi32, #tpu.memory_space<vmem>>, vector<1x1xi32>
    %get3A_124 = vector.extract %get3A_123[0, 0] : i32 from vector<1x1xi32>
    %convert_element_type3A_125 = arith.sitofp %get3A_124 : i32 to f32
    %sub3A_126 = arith.constant 1.000000e+00 : f32
    %sub3A_127 = arith.subf %convert_element_type3A_125, %sub3A_126 : f32
    %jit3A_128 = arith.constant 0.000000e+00 : f32
    %max3A = vector.broadcast %jit3A_128 : f32 to vector<4x128xf32>
    %max3A_129 = arith.maximumf %max3A, %sub3A : vector<4x128xf32>
    %min3A = vector.broadcast %sub3A_127 : f32 to vector<4x128xf32>
    %min3A_130 = arith.minimumf %min3A, %max3A_129 : vector<4x128xf32>
    %sub3A_131 = arith.constant 1.000000e+00 : f32
    %sub3A_132 = arith.subf %convert_element_type3A_125, %sub3A_131 : f32
    %jit3A_133 = arith.constant 0.000000e+00 : f32
    %max3A_134 = vector.broadcast %jit3A_133 : f32 to vector<4x128xf32>
    %max3A_135 = arith.maximumf %max3A_134, %add3A_112 : vector<4x128xf32>
    %min3A_136 = vector.broadcast %sub3A_132 : f32 to vector<4x128xf32>
    %min3A_137 = arith.minimumf %min3A_136, %max3A_135 : vector<4x128xf32>
    %sub3A_138 = arith.constant 1.000000e+00 : f32
    %sub3A_139 = arith.subf %convert_element_type3A_120, %sub3A_138 : f32
    %jit3A_140 = arith.constant 0.000000e+00 : f32
    %max3A_141 = vector.broadcast %jit3A_140 : f32 to vector<4x128xf32>
    %max3A_142 = arith.maximumf %max3A_141, %sub3A_109 : vector<4x128xf32>
    %min3A_143 = vector.broadcast %sub3A_139 : f32 to vector<4x128xf32>
    %min3A_144 = arith.minimumf %min3A_143, %max3A_142 : vector<4x128xf32>
    %sub3A_145 = arith.constant 1.000000e+00 : f32
    %sub3A_146 = arith.subf %convert_element_type3A_120, %sub3A_145 : f32
    %jit3A_147 = arith.constant 0.000000e+00 : f32
    %max3A_148 = vector.broadcast %jit3A_147 : f32 to vector<4x128xf32>
    %max3A_149 = arith.maximumf %max3A_148, %add3A_115 : vector<4x128xf32>
    %min3A_150 = vector.broadcast %sub3A_146 : f32 to vector<4x128xf32>
    %min3A_151 = arith.minimumf %min3A_150, %max3A_149 : vector<4x128xf32>
    %ge3A = arith.constant 0.000000e+00 : f32
    %ge3A_152 = vector.broadcast %ge3A : f32 to vector<4x128xf32>
    %ge3A_153 = arith.cmpf oge, %scan3A_51#1, %ge3A_152 : vector<4x128xf32>
    %lt3A_154 = arith.constant 100 : i32
    %lt3A_155 = vector.broadcast %lt3A_154 : i32 to vector<4x128xi32>
    %lt3A_156 = arith.cmpi slt, %iota3A_33, %lt3A_155 : vector<4x128xi32>
    %and3A = arith.andi %ge3A_153, %lt3A_156 : vector<4x128xi1>
    %jit3A_157 = arith.constant 1.000000e+00 : f32
    %broadcast_in_dim3A_158 = vector.broadcast %jit3A_157 : f32 to vector<4x128xf32>
    %select_n3A_159 = arith.select %and3A, %scan3A_51#1, %broadcast_in_dim3A_158 : vector<4x128xi1>, vector<4x128xf32>
    %sqrt3A = math.sqrt %select_n3A_159 : vector<4x128xf32>
    %jit3A_160 = arith.constant 0.000000e+00 : f32
    %broadcast_in_dim3A_161 = vector.broadcast %jit3A_160 : f32 to vector<4x128xf32>
    %select_n3A_162 = arith.select %and3A, %sqrt3A, %broadcast_in_dim3A_161 : vector<4x128xi1>, vector<4x128xf32>
    %add3A_163 = arith.constant 1 : i32
    %add3A_164 = vector.broadcast %add3A_163 : i32 to vector<4x128xi32>
    %add3A_165 = arith.addi %scan3A_51#3, %add3A_164 : vector<4x128xi32>
    %sub3A_166 = arith.subf %min3A_137, %min3A_130 : vector<4x128xf32>
    %max3A_167 = arith.constant 0.000000e+00 : f32
    %max3A_168 = vector.broadcast %max3A_167 : f32 to vector<4x128xf32>
    %max3A_169 = arith.maximumf %sub3A_166, %max3A_168 : vector<4x128xf32>
    %sub3A_170 = arith.subf %min3A_151, %min3A_144 : vector<4x128xf32>
    %max3A_171 = arith.constant 0.000000e+00 : f32
    %max3A_172 = vector.broadcast %max3A_171 : f32 to vector<4x128xf32>
    %max3A_173 = arith.maximumf %sub3A_170, %max3A_172 : vector<4x128xf32>
    %mul3A_174 = arith.mulf %max3A_169, %max3A_173 : vector<4x128xf32>
    %broadcast_in_dim3A_175 = vector.shape_cast %min3A_130 : vector<4x128xf32> to vector<4x128x1xf32>
    %broadcast_in_dim3A_176 = vector.shape_cast %min3A_130 : vector<4x128xf32> to vector<4x1x128xf32>
    %max3A_177 = vector.broadcast %broadcast_in_dim3A_175 : vector<4x128x1xf32> to vector<4x128x128xf32>
    %max3A_178 = vector.broadcast %broadcast_in_dim3A_176 : vector<4x1x128xf32> to vector<4x128x128xf32>
    %max3A_179 = arith.maximumf %max3A_177, %max3A_178 : vector<4x128x128xf32>
    %broadcast_in_dim3A_180 = vector.shape_cast %min3A_144 : vector<4x128xf32> to vector<4x128x1xf32>
    %broadcast_in_dim3A_181 = vector.shape_cast %min3A_144 : vector<4x128xf32> to vector<4x1x128xf32>
    %max3A_182 = vector.broadcast %broadcast_in_dim3A_180 : vector<4x128x1xf32> to vector<4x128x128xf32>
    %max3A_183 = vector.broadcast %broadcast_in_dim3A_181 : vector<4x1x128xf32> to vector<4x128x128xf32>
    %max3A_184 = arith.maximumf %max3A_182, %max3A_183 : vector<4x128x128xf32>
    %broadcast_in_dim3A_185 = vector.shape_cast %min3A_137 : vector<4x128xf32> to vector<4x128x1xf32>
    %broadcast_in_dim3A_186 = vector.shape_cast %min3A_137 : vector<4x128xf32> to vector<4x1x128xf32>
    %min3A_187 = vector.broadcast %broadcast_in_dim3A_185 : vector<4x128x1xf32> to vector<4x128x128xf32>
    %min3A_188 = vector.broadcast %broadcast_in_dim3A_186 : vector<4x1x128xf32> to vector<4x128x128xf32>
    %min3A_189 = arith.minimumf %min3A_187, %min3A_188 : vector<4x128x128xf32>
    %broadcast_in_dim3A_190 = vector.shape_cast %min3A_151 : vector<4x128xf32> to vector<4x128x1xf32>
    %broadcast_in_dim3A_191 = vector.shape_cast %min3A_151 : vector<4x128xf32> to vector<4x1x128xf32>
    %min3A_192 = vector.broadcast %broadcast_in_dim3A_190 : vector<4x128x1xf32> to vector<4x128x128xf32>
    %min3A_193 = vector.broadcast %broadcast_in_dim3A_191 : vector<4x1x128xf32> to vector<4x128x128xf32>
    %min3A_194 = arith.minimumf %min3A_192, %min3A_193 : vector<4x128x128xf32>
    %sub3A_195 = arith.subf %min3A_189, %max3A_179 : vector<4x128x128xf32>
    %max3A_196 = arith.constant 0.000000e+00 : f32
    %max3A_197 = vector.broadcast %max3A_196 : f32 to vector<4x128x128xf32>
    %max3A_198 = arith.maximumf %sub3A_195, %max3A_197 : vector<4x128x128xf32>
    %sub3A_199 = arith.subf %min3A_194, %max3A_184 : vector<4x128x128xf32>
    %max3A_200 = arith.constant 0.000000e+00 : f32
    %max3A_201 = vector.broadcast %max3A_200 : f32 to vector<4x128x128xf32>
    %max3A_202 = arith.maximumf %sub3A_199, %max3A_201 : vector<4x128x128xf32>
    %mul3A_203 = arith.mulf %max3A_198, %max3A_202 : vector<4x128x128xf32>
    %broadcast_in_dim3A_204 = vector.shape_cast %mul3A_174 : vector<4x128xf32> to vector<4x128x1xf32>
    %broadcast_in_dim3A_205 = vector.shape_cast %mul3A_174 : vector<4x128xf32> to vector<4x1x128xf32>
    %add3A_206 = vector.broadcast %broadcast_in_dim3A_204 : vector<4x128x1xf32> to vector<4x128x128xf32>
    %add3A_207 = vector.broadcast %broadcast_in_dim3A_205 : vector<4x1x128xf32> to vector<4x128x128xf32>
    %add3A_208 = arith.addf %add3A_206, %add3A_207 : vector<4x128x128xf32>
    %sub3A_209 = arith.subf %add3A_208, %mul3A_203 : vector<4x128x128xf32>
    %max3A_210 = arith.constant 9.99999971E-10 : f32
    %max3A_211 = vector.broadcast %max3A_210 : f32 to vector<4x128x128xf32>
    %max3A_212 = arith.maximumf %sub3A_209, %max3A_211 : vector<4x128x128xf32>
    %div3A_213 = arith.divf %mul3A_203, %max3A_212 : vector<4x128x128xf32>
    %swap3A = arith.constant 0 : index
    %swap3A_214 = arith.constant 0 : index
    %swap3A_215 = arith.constant 0 : index
    %swap3A_216 = vector.load %arg7[%swap3A, %swap3A_214, %swap3A_215] : memref<4x128x128xf32, #tpu.memory_space<vmem>>, vector<4x128x128xf32>
    tpu.vector_store %arg7[%swap3A, %swap3A_214, %swap3A_215], %div3A_213 {strides = array<i32>} : memref<4x128x128xf32, #tpu.memory_space<vmem>>, vector<4x128x128xf32>,
    %convert_element_type3A_217 = arith.extui %and3A : vector<4x128xi1> to vector<4x128xi32>
    %convert_element_type3A_218 = arith.sitofp %convert_element_type3A_217 : vector<4x128xi32> to vector<4x128xf32>
    %scan3A_219 = arith.constant 0 : i32
    %scan3A_220 = arith.constant 100 : i32
    %scan3A_221 = arith.addi %scan3A_219, %scan3A_220 : i32
    %scan3A_222 = arith.constant 1 : i32
    %scan3A_223 = scf.for %scan3A_270 = %scan3A_219 to %scan3A_221 step %scan3A_222 iter_args(%scan3A_271 = %convert_element_type3A_218) -> (vector<4x128xf32>)  : i32 {
      %get3A_272 = arith.constant 0 : index
      %get3A_273 = arith.index_cast %scan3A_270 : i32 to index
      %get3A_274 = arith.constant 0 : index
      %get3A_275 = vector.load %arg7[%get3A_272, %get3A_273, %get3A_274] : memref<4x128x128xf32, #tpu.memory_space<vmem>>, vector<4x1x128xf32>
      %reshape3A = vector.shape_cast %get3A_275 : vector<4x1x128xf32> to vector<4x128xf32>
      %eq3A_276 = vector.broadcast %scan3A_270 : i32 to vector<4x128xi32>
      %eq3A_277 = arith.cmpi eq, %iota3A_33, %eq3A_276 : vector<4x128xi32>
      %jit3A_278 = arith.constant 0.000000e+00 : f32
      %broadcast_in_dim3A_279 = vector.broadcast %jit3A_278 : f32 to vector<4x128xf32>
      %select_n3A_280 = arith.select %eq3A_277, %scan3A_271, %broadcast_in_dim3A_279 : vector<4x128xi1>, vector<4x128xf32>
      %reduce_max3A = arith.constant dense<0xFF800000> : vector<4xf32>
      %reduce_max3A_281 = vector.multi_reduction <maximumf>, %select_n3A_280, %reduce_max3A [1] : vector<4x128xf32> to vector<4xf32>
      %broadcast_in_dim3A_282 = vector.shape_cast %reduce_max3A_281 : vector<4xf32> to vector<4x1xf32>
      %gt3A_283 = arith.constant 6.000000e-01 : f32
      %gt3A_284 = vector.broadcast %gt3A_283 : f32 to vector<4x128xf32>
      %gt3A_285 = arith.cmpf ogt, %reshape3A, %gt3A_284 : vector<4x128xf32>
      %gt3A_286 = arith.constant 5.000000e-01 : f32
      %gt3A_287 = vector.broadcast %gt3A_286 : f32 to vector<4x1xf32>
      %gt3A_288 = arith.cmpf ogt, %broadcast_in_dim3A_282, %gt3A_287 : vector<4x1xf32>
      %and3A_289 = vector.broadcast %gt3A_288 : vector<4x1xi1> to vector<4x128xi1>
      %and3A_290 = arith.andi %gt3A_285, %and3A_289 : vector<4x128xi1>
      %gt3A_291 = vector.broadcast %scan3A_270 : i32 to vector<4x128xi32>
      %gt3A_292 = arith.cmpi sgt, %iota3A_33, %gt3A_291 : vector<4x128xi32>
      %and3A_293 = arith.andi %and3A_290, %gt3A_292 : vector<4x128xi1>
      %jit3A_294 = arith.constant 0.000000e+00 : f32
      %broadcast_in_dim3A_295 = vector.broadcast %jit3A_294 : f32 to vector<4x128xf32>
      %select_n3A_296 = arith.select %and3A_293, %broadcast_in_dim3A_295, %scan3A_271 : vector<4x128xi1>, vector<4x128xf32>
      scf.yield %select_n3A_296 : vector<4x128xf32>
    }
    %scan3A_224 = arith.constant 100 : i32
    %gt3A_225 = arith.constant 5.000000e-01 : f32
    %gt3A_226 = vector.broadcast %gt3A_225 : f32 to vector<4x128xf32>
    %gt3A_227 = arith.cmpf ogt, %scan3A_223, %gt3A_226 : vector<4x128xf32>
    %mul3A_228 = arith.mulf %min3A_130, %scan3A_223 : vector<4x128xf32>
    %swap3A_229 = arith.constant 0 : index
    %swap3A_230 = arith.constant 0 : index
    %swap3A_231 = arith.constant 0 : index
    %swap3A_232 = vector.load %arg3[%swap3A_229, %swap3A_230, %swap3A_231] : memref<4x4x128xf32, #tpu.memory_space<vmem>>, vector<4x1x128xf32>
    %swap3A_233 = vector.shape_cast %swap3A_232 : vector<4x1x128xf32> to vector<4x128xf32>
    %swap3A_234 = vector.shape_cast %mul3A_228 : vector<4x128xf32> to vector<4x1x128xf32>
    tpu.vector_store %arg3[%swap3A_229, %swap3A_230, %swap3A_231], %swap3A_234 {strides = array<i32>} : memref<4x4x128xf32, #tpu.memory_space<vmem>>, vector<4x1x128xf32>,
    %mul3A_235 = arith.mulf %min3A_144, %scan3A_223 : vector<4x128xf32>
    %swap3A_236 = arith.constant 0 : index
    %swap3A_237 = arith.constant 1 : index
    %swap3A_238 = arith.constant 0 : index
    %swap3A_239 = vector.load %arg3[%swap3A_236, %swap3A_237, %swap3A_238] : memref<4x4x128xf32, #tpu.memory_space<vmem>>, vector<4x1x128xf32>
    %swap3A_240 = vector.shape_cast %swap3A_239 : vector<4x1x128xf32> to vector<4x128xf32>
    %swap3A_241 = vector.shape_cast %mul3A_235 : vector<4x128xf32> to vector<4x1x128xf32>
    tpu.vector_store %arg3[%swap3A_236, %swap3A_237, %swap3A_238], %swap3A_241 {strides = array<i32>} : memref<4x4x128xf32, #tpu.memory_space<vmem>>, vector<4x1x128xf32>,
    %mul3A_242 = arith.mulf %min3A_137, %scan3A_223 : vector<4x128xf32>
    %swap3A_243 = arith.constant 0 : index
    %swap3A_244 = arith.constant 2 : index
    %swap3A_245 = arith.constant 0 : index
    %swap3A_246 = vector.load %arg3[%swap3A_243, %swap3A_244, %swap3A_245] : memref<4x4x128xf32, #tpu.memory_space<vmem>>, vector<4x1x128xf32>
    %swap3A_247 = vector.shape_cast %swap3A_246 : vector<4x1x128xf32> to vector<4x128xf32>
    %swap3A_248 = vector.shape_cast %mul3A_242 : vector<4x128xf32> to vector<4x1x128xf32>
    tpu.vector_store %arg3[%swap3A_243, %swap3A_244, %swap3A_245], %swap3A_248 {strides = array<i32>} : memref<4x4x128xf32, #tpu.memory_space<vmem>>, vector<4x1x128xf32>,
    %mul3A_249 = arith.mulf %min3A_151, %scan3A_223 : vector<4x128xf32>
    %swap3A_250 = arith.constant 0 : index
    %swap3A_251 = arith.constant 3 : index
    %swap3A_252 = arith.constant 0 : index
    %swap3A_253 = vector.load %arg3[%swap3A_250, %swap3A_251, %swap3A_252] : memref<4x4x128xf32, #tpu.memory_space<vmem>>, vector<4x1x128xf32>
    %swap3A_254 = vector.shape_cast %swap3A_253 : vector<4x1x128xf32> to vector<4x128xf32>
    %swap3A_255 = vector.shape_cast %mul3A_249 : vector<4x128xf32> to vector<4x1x128xf32>
    tpu.vector_store %arg3[%swap3A_250, %swap3A_251, %swap3A_252], %swap3A_255 {strides = array<i32>} : memref<4x4x128xf32, #tpu.memory_space<vmem>>, vector<4x1x128xf32>,
    %mul3A_256 = arith.mulf %select_n3A_162, %scan3A_223 : vector<4x128xf32>
    %swap3A_257 = arith.constant 0 : index
    %swap3A_258 = arith.constant 0 : index
    %swap3A_259 = vector.load %arg4[%swap3A_257, %swap3A_258] : memref<4x128xf32, #tpu.memory_space<vmem>>, vector<4x128xf32>
    tpu.vector_store %arg4[%swap3A_257, %swap3A_258], %mul3A_256 {strides = array<i32>} : memref<4x128xf32, #tpu.memory_space<vmem>>, vector<4x128xf32>,
    %jit3A_260 = arith.constant 0 : i32
    %broadcast_in_dim3A_261 = vector.broadcast %jit3A_260 : i32 to vector<4x128xi32>
    %select_n3A_262 = arith.select %gt3A_227, %add3A_165, %broadcast_in_dim3A_261 : vector<4x128xi1>, vector<4x128xi32>
    %swap3A_263 = arith.constant 0 : index
    %swap3A_264 = arith.constant 0 : index
    %swap3A_265 = vector.load %arg5[%swap3A_263, %swap3A_264] : memref<4x128xi32, #tpu.memory_space<vmem>>, vector<4x128xi32>
    tpu.vector_store %arg5[%swap3A_263, %swap3A_264], %select_n3A_262 {strides = array<i32>} : memref<4x128xi32, #tpu.memory_space<vmem>>, vector<4x128xi32>,
    %convert_element_type3A_266 = arith.extui %gt3A_227 : vector<4x128xi1> to vector<4x128xi32>
    %swap3A_267 = arith.constant 0 : index
    %swap3A_268 = arith.constant 0 : index
    %swap3A_269 = vector.load %arg6[%swap3A_267, %swap3A_268] : memref<4x128xi32, #tpu.memory_space<vmem>>, vector<4x128xi32>
    tpu.vector_store %arg6[%swap3A_267, %swap3A_268], %convert_element_type3A_266 {strides = array<i32>} : memref<4x128xi32, #tpu.memory_space<vmem>>, vector<4x128xi32>,
    return
  }
}

</mosaic_0001>

<sc_bundles>
// kernel: kernel.6.cloned.1.call-start
scs
__scs_entry_jumppad:
0x0: {  	(pc) =	sbr.rel $0x88, $3  }
0x1: {  	(tag) =	ssettag $0x0;
	lr =	simm.s32 $0x1  }
0x2: {  	[smem:$0x3F9C] =	sst lr;
	_ =	strace $0xD0000000  }
0x3: {  	_ = 	snop  }
0x4: {  	_ = 	snop  }
0x5: {  	_ = 	snop  }
0x6: {  	_ = 	snop  }
0x7: {  	_ = 	snop  }
__scs_overlays_trampoline_lowered:
0x8: {  	[smem:$0x3FAB] =	sst s0  }
0x9: {  	[smem:$0x3FAC] =	sst s1  }
0xa: {  	[smem:$0x3FAD] =	sst s2  }
0xb: {  	[smem:$0x3FAE] =	sst s3  }
0xc: {  	[smem:$0x3FAF] =	sst s4  }
0xd: {  	[smem:$0x3FB0] =	sst s5  }
0xe: {  	[smem:$0x3FB1] =	sst s6  }
0xf: {  	[smem:$0x3FB2] =	sst s7  }
0x10: {  	[smem:$0x3FB3] =	sst s8  }
0x11: {  	[smem:$0x3FB4] =	sst s9;
	s0 =	simm.s32 @!p0 $0x0  }
0x12: {  	s1 =	sld [smem:$0x3F9A];
	s0 =	simm.s32 @p0 $0x1  }
0x13: {  	[smem:$0x3FB5] =	sst s0;
	s0 =	simm.s32 @!p1 $0x0  }
0x14: {  	s2 =	sld [smem:$0x3F99];
	s0 =	simm.s32 @p1 $0x1  }
0x15: {  	[smem:$0x3FB6] =	sst s0;
	s0 =	simm.s32 @!p2 $0x0  }
0x16: {  	s3 =	sld [smem:$0x3FDB];
	s0 =	simm.s32 @p2 $0x1  }
0x17: {  	s4 =	simm.s32 $0x1BF5;
	[smem:$0x3FB8] =	sst s0  }
0x18: {  	s0 =	sld [smem:$0x3F9B];
	_ =	swait.ge [sflag:s4], $0x0  }
0x19: {  	s7 =	sld [smem:$0x3F9C]  }
0x1a: {  	s8 =	sadd.s32 $0xFFFFE003, lr  }
0x1b: {  	s9 =	sadd.s32 $0xFFFFFEF7, lr;
	s5 =	simm.s32 $0xFFFFFFFF;
	p2 =	slt.u32 s8, $0xFFFFF086  }
0x1c: {  	p1 =	slt.u32 s9, $0xF7A;
	s5 =	simm.s32 @!p2 $0x0  }
0x1d: {  	s5 =	simm.s32 @p1 $0x1;
	p0 =	seq.s32 s7, s2  }
0x1e: {  	s7 =	smul.u32 @!p0 $0xF7A, s2;
	p2 =	seq.s32 @!p0 s5, $0x0  }
0x1f: {  	s9 =	smul.u32 $0xF7A, s1;
	s8 =	simm.s32 @!p0 $0x1BF5;
	p2 =	por !p2, p0  }
0x20: {  	[sflag:s8] =	ssyncset.s32 @!p0 $0xFFFFF086;
	s6 =	sadd.s32 @!p0 s3, s7;
	s7 =	simm.s32 @!p0 $0x108  }
0x21: {  	s3 =	sadd.s32 s3, s9;
	s6 =	sadd.s32 @!p0 $0x88, s6;
	s7 =	simm.s32 @p2 $0x1082  }
0x22: {  	[simem:s7], [sflag:s8] =	dma.local @!p0 [hbm:s6], $0xF7A  }
0x23: {  	s9 =	sor.u32 $0xD0000000, s2;
	s6 =	simm.s32 $0x108;
	_ =	swait.ge @!p0 [sflag:s8], $0x0  }
0x24: {  	s3 =	sadd.s32 $0x88, s3;
	s6 =	simm.s32 @!p1 $0x1082;
	[sflag:s4] =	ssyncset.s32 $0xFFFFF086  }
0x25: {  	[simem:s6], [sflag:s4] =	dma.local [hbm:s3], $0xF7A  }
0x26: {  	[smem:$0x3F9C] =	sst s1;
	(tag) =	ssettag s2;
	_ =	strace s9  }
0x27: {  	s1 =	sld [smem:$0x3FAC]  }
0x28: {  	s2 =	sld [smem:$0x3FAD]  }
0x29: {  	s4 =	sld [smem:$0x3FAF]  }
0x2a: {  	p0 =	seq.s32 s5, $0x0;
	s5 =	sld [smem:$0x3FB0]  }
0x2b: {  	s6 =	sld [smem:$0x3FB1]  }
0x2c: {  	s7 =	sld [smem:$0x3FB2]  }
0x2d: {  	s3 =	simm.s32 $0x108;
	s8 =	sld [smem:$0x3FB3]  }
0x2e: {  	s3 =	simm.s32 @!p0 $0x1082;
	s9 =	sld [smem:$0x3FB4]  }
0x2f: {  	lr =	sadd.s32 s0, s3;
	s0 =	sld [smem:$0x3FAB]  }
0x30: {  	s3 =	sld [smem:$0x3FAE]  }
0x31: {  	[smem:$0x3FB7] =	sst s10  }
0x32: {  	s10 =	sld [smem:$0x3FB5];
	_ =	sdelay $0x3  }
0x33: {  	p0 =	seq.s32 s10, $0x1;
	s10 =	sld [smem:$0x3FB7];
	_ =	sdelay $0x3  }
0x34: {  	[smem:$0x3FB7] =	sst s10  }
0x35: {  	s10 =	sld [smem:$0x3FB6];
	_ =	sdelay $0x3  }
0x36: {  	p1 =	seq.s32 s10, $0x1;
	s10 =	sld [smem:$0x3FB7];
	_ =	sdelay $0x3  }
0x37: {  	[smem:$0x3FB7] =	sst s10  }
0x38: {  	s10 =	sld [smem:$0x3FB8]  }
0x39: {  	_ = 	snop;
	(pc) =	sbr.ind lr, $3  }
0x3a: {  	_ = 	snop  }
0x3b: {  	_ = 	snop  }
0x3c: {  	p2 =	seq.s32 s10, $0x1;
	s10 =	sld [smem:$0x3FB7]  }
0x3d: {  	_ =	shalt  }
0x3e: {  	_ =	shalt  }
0x3f: {  	_ =	shalt  }
0x40: {  	_ =	shalt  }
0x41: {  	_ =	shalt  }
0x42: {  	_ =	shalt  }
0x43: {  	_ =	shalt  }
0x44: {  	_ =	shalt  }
0x45: {  	_ =	shalt  }
0x46: {  	_ =	shalt  }
0x47: {  	_ =	shalt  }
0x48: {  	_ =	shalt  }
0x49: {  	_ =	shalt  }
0x4a: {  	_ =	shalt  }
0x4b: {  	_ =	shalt  }
0x4c: {  	_ =	shalt  }
0x4d: {  	_ =	shalt  }
0x4e: {  	_ =	shalt  }
0x4f: {  	_ =	shalt  }
0x50: {  	_ =	shalt  }
0x51: {  	_ =	shalt  }
0x52: {  	_ =	shalt  }
0x53: {  	_ =	shalt  }
0x54: {  	_ =	shalt  }
0x55: {  	_ =	shalt  }
0x56: {  	_ =	shalt  }
0x57: {  	_ =	shalt  }
0x58: {  	_ =	shalt  }
0x59: {  	_ =	shalt  }
0x5a: {  	_ =	shalt  }
0x5b: {  	_ =	shalt  }
0x5c: {  	_ =	shalt  }
0x5d: {  	_ =	shalt  }
0x5e: {  	_ =	shalt  }
0x5f: {  	_ =	shalt  }
0x60: {  	_ =	shalt  }
0x61: {  	_ =	shalt  }
0x62: {  	_ =	shalt  }
0x63: {  	_ =	shalt  }
0x64: {  	_ =	shalt  }
0x65: {  	_ =	shalt  }
0x66: {  	_ =	shalt  }
0x67: {  	_ =	shalt  }
0x68: {  	_ =	shalt  }
0x69: {  	_ =	shalt  }
0x6a: {  	_ =	shalt  }
0x6b: {  	_ =	shalt  }
0x6c: {  	_ =	shalt  }
0x6d: {  	_ =	shalt  }
0x6e: {  	_ =	shalt  }
0x6f: {  	_ =	shalt  }
0x70: {  	_ =	shalt  }
0x71: {  	_ =	shalt  }
0x72: {  	_ =	shalt  }
0x73: {  	_ =	shalt  }
0x74: {  	_ =	shalt  }
0x75: {  	_ =	shalt  }
0x76: {  	_ =	shalt  }
0x77: {  	_ =	shalt  }
0x78: {  	_ =	shalt  }
0x79: {  	_ =	shalt  }
0x7a: {  	_ =	shalt  }
0x7b: {  	_ =	shalt  }
0x7c: {  	_ =	shalt  }
0x7d: {  	_ =	shalt  }
0x7e: {  	_ =	shalt  }
0x7f: {  	_ =	shalt  }
0x80: {  	_ =	shalt  }
0x81: {  	_ =	shalt  }
0x82: {  	_ =	shalt  }
0x83: {  	_ =	shalt  }
0x84: {  	_ =	shalt  }
0x85: {  	_ =	shalt  }
0x86: {  	_ =	shalt  }
0x87: {  	_ =	shalt  }
.Lfunc_end0:
.L_simem_size_0:
called_computation_lowered:
.L_overlay_start_0:
0x88: {  	s2 =	sld [smem:$0x3FD9]  }
0x89: {  	s3 =	sld [smem:$0x3FFE];
	_ =	sdelay $0x1  }
0x8a: {  	s1 =	srdreg.scid  }
0x8b: {  	s0 =	sand.u32 $0x1, s1  }
0x8c: {  	s14 =	sshll.u32 s0, $0xA;
	s2 =	sadd.s32 s3, s2  }
0x8d: {  	s2 =	sadd.s32 s2, s14  }
0x8e: {  	[smem:$0x3FC3] =	sst s2  }
0x8f: {  	_ = 	snop  }
0x90: {  	s2 =	sld [smem:$0x3FD0];
	_ =	sdelay $0x2  }
0x91: {  	s15 =	simm.s32 $0xA;
	s4 =	simm.s32 $0x10  }
0x92: {  	[smem:s4], [sflag:s15] =	dma.local [hbm:s2], $0x1  }
0x93: {  	_ =	swait.eq [sflag:s15], $0x1  }
0x94: {  	[sflag:s15] =	ssyncset.done $0x0  }
0x95: {  	[sflag:s15] =	ssyncadd.s32 $0xFFFFFFFF  }
0x96: {  	s16 =	sld [smem:$0x12];
	(tm) =	ssettm $0x1  }
0x97: {  	s17 =	sld [smem:$0x3FFB];
	_ =	sdelay $0x3  }
0x98: {  	_ =	strace s17  }
0x99: {  	s3 =	sld [smem:$0x3FFC];
	_ =	sdelay $0x3  }
0x9a: {  	_ =	strace s3  }
0x9b: {  	s3 =	sld [smem:$0x3FFD];
	_ =	sdelay $0x3  }
0x9c: {  	_ =	strace s3  }
0x9d: {  	_ =	strace $0x8FFFFFFF  }
0x9e: {  	s18 =	sld [smem:$0x3FDB];
	_ =	sdelay $0x1  }
0x9f: {  	s19 =	simm.s32 $_scs_section_size  }
0xa0: {  	s5 =	simm.s32 $_size__tile_overlayer_lowered;
	s6 =	simm.s32 $_tile_overlayer_lowered  }
0xa1: {  	s22 =	simm.s32 $0x1BFF;
	s21 =	sshll.u32 s6, $0x1;
	s3 =	sadd.s32 s19, s18  }
0xa2: {  	s7 =	simm.s32 $0x0;
	s20 =	sshll.u32 s5, $0x1;
	s5 =	sadd.s32 s21, s3  }
0xa3: {  	[timem:s7], [sflag:s22] =	dma.local [hbm:s5], s20  }
0xa4: {  	_ =	swait.ge [sflag:s22], s20  }
0xa5: {  	s4 =	ssub.s32 $0x0, s20;
	[sflag:s22] =	ssyncset.done $0x0  }
0xa6: {  	[sflag:s22] =	ssyncadd.s32 s4;
	_ =	sdelay $0x1  }
0xa7: {  	s23 =	simm.s32 $0x1B8B  }
0xa8: {  	_ =	swait.ge [sflag:s23], $0x1  }
0xa9: {  	[sflag:s23] =	ssyncset.done $0x0  }
0xaa: {  	s25 =	simm.s32 $0x1B8E;
	s24 =	sld [smem:$0x3FFE];
	[sflag:s23] =	ssyncadd.s32 $0xFFFFFFFF  }
0xab: {  	s26 =	simm.s32 $execute0_lowered;
	[smem:$0x3FD2] =	sst s25  }
0xac: {  	s5 =	sshll.u32 s26, $0x1;
	_ =	strace $0x80000046;
	[dreg:$0x1] =	wrdreg $0xFFFFFFFF  }
0xad: {  	s28 =	simm.s32 $_size_execute0_lowered;
	s3 =	sadd.s32 s3, s5;
	[dreg:$0x0] =	wrdreg $0x0  }
0xae: {  	s5 =	sshll.u32 s28, $0x1;
	[dreg:$0x2] =	wrdreg s3  }
0xaf: {  	[dreg:$0x3] =	wrdreg s5  }
0xb0: {  	[dreg:$0x4] =	wrdreg $0xC0  }
0xb1: {  	_ =	task [dreg:s7], $0x5FFFF  }
0xb2: {  	[dreg:$0x1] =	wrdreg $0xFFFFFFFF  }
0xb3: {  	[dreg:$0x0] =	wrdreg $0x60  }
0xb4: {  	[dreg:$0x2] =	wrdreg s24  }
0xb5: {  	[dreg:$0x3] =	wrdreg s16  }
0xb6: {  	[dreg:$0x4] =	wrdreg $0x9  }
0xb7: {  	_ =	task.clear_ibuf [dreg:s7], $0x5FFFF;
	_ =	strace $0x90000046  }
0xb8: {  	s29 =	simm.s32 $0x9;
	_ =	strace $0x80000048  }
0xb9: {  	_ =	swait.ge [sflag:s29], $0x1  }
0xba: {  	[sflag:s29] =	ssyncadd.s32 $0xFFFFFFFF  }
0xbb: {  	_ =	strace $0x90000048  }
0xbc: {  	_ =	sfence  }
0xbd: {  	s30 =	sld [smem:$0x0];
	_ =	sdelay $0x2  }
0xbe: {  	s31 =	sshll.u32 s1, $0xD;
	s1 =	sshrl.u32 s1, $0x2  }
0xbf: {  	s3 =	sand.u32 $0x4000, s31;
	s1 =	sadd.s32 s1, s30  }
0xc0: {  	s0 =	sor.u32 s3, s0;
	s1 =	sshll.u32 s1, $0x11  }
0xc1: {  	s0 =	sor.u32 s1, s0  }
0xc2: {  	s0 =	sadd.s32 $0x8F2B, s0  }
0xc3: {  	[sflag:s0] =	ssyncadd.remote.s32 $0x1  }
0xc4: {  	_ =	sfence.sel $0xFFFF  }
0xc5: {  	[dreg:$0x0] =	wrdreg $0xFFFFFFFF;
	(pc) =	sbr.abs _section_cstart, $3  }
0xc6: {  	[dreg:$0x1] =	wrdreg $0xFFFFFFFF  }
0xc7: {  	_ =	task.clear_ibuf [dreg:s7], $0x2FFFF;
	_ =	strace $0x9FFFFFFF  }
0xc8: {  	(tm) =	ssettm $0x7FFFFFFF  }
0xc9: {  	_ =	shalt  }
tec
execute0_lowered:
.L_overlay_start_1:
0x0: {  	(tag) =	ssettag $0x1  }
0x1: {  	s1 =	srdreg.scid;
	s9 =	rddreg [dreg:$0x0]  }
0x2: {  	s0 =	stileid.u32;
	s3 =	rddreg [dreg:$0x1]  }
0x3: {  	s2 =	simm.s32 $0x0;
	s7 =	simm.s32 $0x80;
	s6 =	sand.u32 $0x1, s1  }
0x4: {  	s4 =	sshll.u32 s0, $0x5;
	s1 =	rddreg [dreg:$0x2];
	s5 =	sshll.u32 s6, $0x4  }
0x5: {  	s8 =	simm.s32 $0x1;
	[smem:$0x7FF] =	sst s2;
	s10 =	sor.u32 s5, s4  }
0x6: {  	_ =	strace $0x80000047;
	s11 =	ssub.s32 $0x2, s6;
	s4 =	sshrl.u32 s10, $0x3  }
0x7: {  	s6 =	simm.s32 $0x10;
	s4 =	sadd.s32 s3, s4;
	s3 =	simm.s32 $0x2  }
0x8: {  	[tilespmem:s2], [sflag:$0x2] =	stream.linear.gather [hbm4b:s4+s2], $0x10, $0x38;
	[tilespmem:$0x880] =	vst v63  }
0x9: {  	s5 =	sadd.s32 $0x1000, s9;
	s12 =	sshrl.u32 s11, $0x1;
	_ =	swait.ge [sflag:s3], $0x10  }
0xa: {  	s10 =	sshll.u32 s10, $0x4;
	s31 =	ssub.s32 s11, s12;
	[sflag:s3] =	ssyncset.done $0x0  }
0xb: {  	s9 =	sadd.s32 s10, s9;
	s10 =	smax.u32 s31, $0x1;
	[sflag:s3] =	ssyncadd.s32 $0xFFFFFFF0  }
0xc: {  	[tilespmem:s7], [sflag:$0x1] =	stream.indirect.gather [hbm4b:s5+s6], $0x80, s2, s6, $0xb8;
	[tilespmem:$0x880] =	vst v63  }
0xd: {  	p0 =	sne.s32 s10, $0x1;
	_ =	swait.ge [sflag:s8], $0x800  }
.Ltmp0:
0xe: {  	[sflag:s8] =	ssyncset.done $0x0;
	(pc) =	sbr.rel @!p0 .LBB2_2-.Ltmp0, $4  }
0xf: {  	s9 =	sadd.s32 $0x191000, s9;
	[sflag:s8] =	ssyncadd.s32 $0xFFFFF800  }
0x10: {  	[hbm4b:s9+s2] =	stream.linear.scatter [tilespmem:s7], [sflag:$0x2], $0x800, $0x38;
	[tilespmem:$0x880] =	vst v63  }
0x11: {  	_ =	swait.ge [sflag:s3], $0x800  }
0x12: {  	s10 =	sadd.s32 $0xFFFFFFFF, s10;
	[sflag:s3] =	ssyncset.done $0x0  }
.LBB2_1:
0x13: {  	p0 =	sne.s32 s10, $0x1;
	s10 =	sadd.s32 $0xFFFFFFFF, s10;
	[sflag:s3] =	ssyncadd.s32 $0xFFFFF800  }
0x14: {  	[tilespmem:s2], [sflag:$0x2] =	stream.linear.gather [hbm4b:s4+s2], $0x10, $0x38;
	[tilespmem:$0x880] =	vst v63  }
0x15: {  	_ =	swait.ge [sflag:s3], $0x10  }
0x16: {  	[sflag:s3] =	ssyncset.done $0x0  }
0x17: {  	[sflag:s3] =	ssyncadd.s32 $0xFFFFFFF0  }
0x18: {  	[tilespmem:s7], [sflag:$0x1] =	stream.indirect.gather [hbm4b:s5+s6], $0x80, s2, s6, $0xb8;
	[tilespmem:$0x880] =	vst v63  }
0x19: {  	_ =	swait.ge [sflag:s8], $0x800  }
.Ltmp1:
0x1a: {  	[sflag:s8] =	ssyncset.done $0x0;
	(pc) =	sbr.rel @p0 .LBB2_1-.Ltmp1, $4  }
0x1b: {  	[sflag:s8] =	ssyncadd.s32 $0xFFFFF800  }
0x1c: {  	[hbm4b:s9+s2] =	stream.linear.scatter [tilespmem:s7], [sflag:$0x2], $0x800, $0x38;
	[tilespmem:$0x880] =	vst v63  }
0x1d: {  	_ =	swait.ge [sflag:s3], $0x800  }
0x1e: {  	[sflag:s3] =	ssyncset.done $0x0  }
.LBB2_2:
0x1f: {  	[sflag:s3] =	ssyncadd.s32 $0xFFFFF800  }
0x20: {  	_ =	sfence.sel $0x180000  }
0x21: {  	[bflag:$0x0] =	sbarrier.arrive $0xFFFF  }
0x22: {  	p0 =	sne.s32 s0, $0x0;
	_ =	strace $0x90000047  }
0x23: {  	s0 =	sadd.s32 @!p0 $0x100000, s1;
	[bflag:$0x2] =	sbarrier.arrive $0xFFFF  }
0x24: {  	[sflag:s0] =	ssyncadd.tile.s32 @!p0 $0x1;
	_ =	shalt  }
.Lfunc_end2:
_tile_overlayer_lowered:
.L_overlay_start_2:
0x25: {  	(tag) =	ssettag $0x2  }
0x26: {  	s0 =	rddreg [dreg:$0x0];
	s2 =	stileid.u32  }
0x27: {  	s1 =	rddreg [dreg:$0x1];
	p0 =	sne.s32 s2, $0x0  }
0x28: {  	s3 =	rddreg [dreg:$0x2];
	[bflag:$0x3] =	sbarrier.arrive $0xFFFF;
	s2 =	simm.s32 @!p0 $0x1C02  }
0x29: {  	[timem:s3], [sflag:s2] =	dma.local @!p0 [hbm:s0], s1  }
0x2a: {  	s0 =	simm.s32 @!p0 $0x2  }
0x2b: {  	_ =	swait.ge @!p0 [sflag:s0], s1  }
0x2c: {  	s1 =	ssub.s32 @!p0 $0x0, s1;
	[sflag:s0] =	ssyncset.done @!p0 $0x0  }
0x2d: {  	[sflag:s0] =	ssyncadd.s32 @!p0 s1  }
0x2e: {  	[bflag:$0x3] =	sbarrier.arrive $0xFFFF  }
0x2f: {  	_ =	shalt  }

</sc_bundles>
